<compile_context>
chip_gen: v7x
topology: tpu7x:2x2x1
jax: 0.10.2.dev20260603
libtpu: 0.0.44.dev20260713+nightly
codegen_flags: <defaults>
</compile_context>

<pallas_src>
import functools

import numpy as np
import jax
import jax.numpy as jnp
from jax import lax
from jax.experimental import pallas as pl
from jax.experimental.pallas import tpu as pltpu
from jax.experimental.pallas import tpu_sc as plsc

_EPS = 1e-3


def _rsqrt_precise(s):
    r = lax.rsqrt(s)
    return r * (1.5 - 0.5 * s * r * r)


def _sqrt_precise(s):
    return s * _rsqrt_precise(s)


_INV2PI = np.float32(1.0 / (2.0 * np.pi))
_RC1 = np.float32(6.283203125)
_RC2 = np.float32(-1.781782e-05)
_SINP = tuple(np.float32(v) for v in
              (9.99983615e-01, -1.66630886e-01, 8.31161466e-03,
               -1.93036605e-04, 2.16655721e-06))
_COSP = tuple(np.float32(v) for v in
              (9.99999401e-01, -4.99995301e-01, 4.16607501e-02,
               -1.38617799e-03, 2.42399769e-05, -2.21318664e-07))


def _sincos(h):
    n = jnp.round(h * _INV2PI)
    r = (h - n * _RC1) - n * _RC2
    u = r * r
    s = _SINP
    c = _COSP
    sinr = r * (s[0] + u * (s[1] + u * (s[2] + u * (s[3] + u * s[4]))))
    cosr = c[0] + u * (c[1] + u * (c[2] + u * (c[3] + u * (c[4] + u * c[5]))))
    return sinr, cosr


_SC_NC = 2
_SC_NS = 16
_SC_CH = 2000


def _sc_gather(table, idx, E):
    NW = _SC_NC * _SC_NS
    per_w = E // NW
    n_ch = per_w // _SC_CH
    mesh = plsc.VectorSubcoreMesh(core_axis_name="c", subcore_axis_name="s")

    @functools.partial(
        pl.kernel,
        mesh=mesh,
        out_type=jax.ShapeDtypeStruct((E, 16), jnp.float32),
        compiler_params=pltpu.CompilerParams(use_tc_tiling_on_sc=False),
        scratch_types=[
            pltpu.VMEM((_SC_CH,), jnp.int32),
            pltpu.VMEM((_SC_CH, 16), jnp.float32),
            pltpu.SemaphoreType.DMA,
        ],
    )
    def gk(table_hbm, idx_hbm, out_hbm, idx_v, rows_v, sem):
        wid = lax.axis_index("s") * _SC_NC + lax.axis_index("c")
        base = wid * per_w

        def body(j, carry):
            off = base + j * _SC_CH
            pltpu.sync_copy(idx_hbm.at[pl.ds(off, _SC_CH)], idx_v)
            pltpu.async_copy(table_hbm.at[idx_v], rows_v, sem).wait()
            pltpu.sync_copy(rows_v, out_hbm.at[pl.ds(off, _SC_CH)])
            return carry

        lax.fori_loop(0, n_ch, body, 0)

    return gk(table, idx)




def _frames_body(x_ref, o_ref):
    def g(a):
        return x_ref[a]

    nx, ny, nz = g(0), g(1), g(2)
    cax, cay, caz = g(3), g(4), g(5)
    cx, cy, cz = g(6), g(7), g(8)

    def normed(vx, vy, vz):
        inv = _rsqrt_precise(vx * vx + vy * vy + vz * vz + _EPS)
        return vx * inv, vy * inv, vz * inv

    def cross(a, b):
        ax, ay, az = a
        bx, by, bz = b
        return ay * bz - az * by, az * bx - ax * bz, ax * by - ay * bx

    n1 = normed(nx - cax, ny - cay, nz - caz)
    u2 = normed(cx - cax, cy - cay, cz - caz)
    n2 = normed(*cross(n1, u2))
    n3 = normed(*cross(n1, n2))
    outs = tuple(
        v.astype(jnp.bfloat16).astype(jnp.float32) for v in (*n1, *n2, *n3))
    for i in range(9):
        o_ref[i] = outs[i]


def _frames_call(xp):
    nb_ = xp.shape[1]
    return pl.pallas_call(
        _frames_body,
        out_shape=jax.ShapeDtypeStruct((9, nb_, 128), jnp.float32),
    )(xp)




def _dot_raw(a, b):
    return lax.dot_general(
        a, b, (((1,), (0,)), ((), ())),
        preferred_element_type=jnp.float32,
    )


def _split3(x):
    f32 = jnp.float32
    h1 = x.astype(jnp.bfloat16)
    r1 = x - h1.astype(f32)
    h2 = r1.astype(jnp.bfloat16)
    h3 = (r1 - h2.astype(f32)).astype(jnp.bfloat16)
    return h1, h2, h3


def _dot_ds(a, b):
    a1, a2, a3 = _split3(a)
    bh = b.astype(jnp.bfloat16)
    return _dot_raw(a1, bh) + _dot_raw(a2, bh) + _dot_raw(a3, bh)


def _dot_sd(a, b):
    ah = a.astype(jnp.bfloat16)
    b1, b2, b3 = _split3(b)
    return _dot_raw(ah, b1) + _dot_raw(ah, b2) + _dot_raw(ah, b3)


def _dot_ds2(a, b):
    f32 = jnp.float32
    a1 = a.astype(jnp.bfloat16)
    a2 = (a - a1.astype(f32)).astype(jnp.bfloat16)
    bh = b.astype(jnp.bfloat16)
    return _dot_raw(a1, bh) + _dot_raw(a2, bh)


def _main_body(BE, R, K, xj_ref, rd_ref, bc_ref, m1a_ref, gsum_ref,
               bv_ref, bd_ref, o_ref):
    xj = xj_ref[...]
    rd = rd_ref[...]
    bc = bc_ref[...]
    ed = _dot_sd(bc, rd)
    xi = ed[:, 0:16]
    n_e = ed[:, 16:25]
    xy = jnp.concatenate([xi, xj], axis=1)
    dx = _dot_ds(xy, m1a_ref[...])
    s = dx * dx
    ss = s[:, 0:64] + s[:, 64:128] + s[:, 128:192]
    D = _sqrt_precise(ss + _EPS)
    f32 = jnp.float32
    td3 = xj[:, 3:6] - ed[:, 3:6]
    tdb = td3.astype(jnp.bfloat16).astype(f32)
    td9v = jnp.concatenate([tdb, tdb, tdb], axis=1)
    t_ji = _dot_ds2(n_e * td9v, gsum_ref[...])
    hv = _dot_raw(t_ji, bv_ref[...])
    hd = _dot_raw(D, bd_ref[...])
    sv, cv = _sincos(hv)
    sd, cd = _sincos(hd)
    o_ref[...] = jnp.concatenate([cv + cd, sv + sd], axis=1)


def _main_call(Xj, row_data, M1a, Gsum, Bv, Bd, E, K, BE):
    R = BE // K
    grid = E // BE
    bc = jnp.asarray(
        (np.arange(BE)[:, None] // K == np.arange(R)[None, :])
        .astype(np.float32)).astype(jnp.bfloat16)
    body = functools.partial(_main_body, BE, R, K)
    full = lambda shape: pl.BlockSpec(shape, lambda i: (0, 0))
    return pl.pallas_call(
        body,
        grid=(grid,),
        in_specs=[
            pl.BlockSpec((BE, 16), lambda i: (i, 0)),
            pl.BlockSpec((R, 25), lambda i: (i, 0)),
            full(bc.shape),
            full(M1a.shape),
            full(Gsum.shape),
            full(Bv.shape),
            full(Bd.shape),
        ],
        out_specs=pl.BlockSpec((BE, 128), lambda i: (i, 0)),
        out_shape=jax.ShapeDtypeStruct((E, 128), jnp.float32),
    )(Xj, row_data, bc, M1a, Gsum, Bv, Bd)


def _structural_consts():
    def rc(p, d):
        return 3 * p + d if p < 4 else 16 + 3 * (p - 4) + d

    m1a = np.zeros((32, 192), np.float32)
    for d in range(3):
        for m in range(64):
            a, b = m // 8, m % 8
            m1a[rc(b, d), 64 * d + m] += 1.0
            m1a[rc(a, d), 64 * d + m] -= 1.0
    gsum = np.zeros((9, 3), np.float32)
    for c in range(3):
        for d in range(3):
            gsum[3 * c + d, c] = 1.0
    return jnp.asarray(m1a), jnp.asarray(gsum)




def kernel(X, edge_idx, C, B_vec, B_dist):
    nb, L, K = edge_idx.shape
    E = nb * L * K
    Xf = X.reshape(nb * L, 12)
    table = jnp.pad(Xf, ((0, 0), (0, 4)))
    idx = edge_idx.reshape(E).astype(jnp.int32)
    Xj = _sc_gather(table, idx, E)

    Lp = ((nb * L + 127) // 128) * 128
    xt = X.reshape(nb * L, 4, 3)[:, :3, :].transpose(1, 2, 0).reshape(9, nb * L)
    xp = jnp.pad(xt, ((0, 0), (0, Lp - nb * L))).reshape(9, Lp // 128, 128)
    fr = _frames_call(xp)
    frT = fr.reshape(9, Lp)[:, : nb * L].T
    row_data = jnp.concatenate(
        [Xf, jnp.zeros((nb * L, 4), jnp.float32), frT], axis=1)

    M1a, Gsum = _structural_consts()
    out = _main_call(Xj, row_data, M1a, Gsum, B_vec, B_dist, E, K,
                     BE=2560)
    return out.reshape(nb, L, K, 2 * B_vec.shape[1])

# --- scband reference (transcript-rebuilt; emitter-appended) ---
"""Pipeline reference for scband-edge-random-fourier-features2grid-23759759081735 (READ-ONLY COPY).

The authoritative reference and input builder live on the scoring server;
editing this copy changes nothing except your own understanding.
"""

import jax, jax.numpy as jnp
import numpy as np

_EPS = 1e-3


def _fourier(x, B):
    # FourierFeaturization: h = x @ B ; out = [cos(h), sin(h)] (B pre-scaled by 2*pi*scale)
    h = x @ B
    return jnp.concatenate([jnp.cos(h), jnp.sin(h)], axis=-1)


def _normed_vec(v, eps=_EPS):
    return v / jnp.sqrt(jnp.sum(v * v, axis=-1, keepdims=True) + eps)


def _normed_cross(a, b, eps=_EPS):
    return _normed_vec(jnp.cross(a, b), eps)


def _collect_neighbors(node_h, edge_idx):
    # node_h: (B, L, ...) -> (B, L, K, ...) gathered at edge_idx along residue dim
    nb = node_h.shape[0]
    bidx = jnp.arange(nb)[:, None, None]
    return node_h[bidx, edge_idx]


def setup_inputs(seed: int = 0):
    key = jax.random.key(seed)
    k1, k2, k3, k4 = jax.random.split(key, 4)
    Bz, L, K = 1, 10000, 32
    X = jax.random.normal(k1, (Bz, L, 4, 3), dtype=jnp.float32)
    edge_idx = jax.random.randint(k2, (Bz, L, K), 0, L)
    C = jnp.ones((Bz, L), dtype=jnp.int32)
    dim_embedding = 128
    scale = 1.0
    # random fourier weight matrices (buffers since trainable=False), pre-scaled by 2*pi*scale
    B_vec = 2.0 * jnp.pi * scale * jax.random.normal(k3, (3, dim_embedding // 2), dtype=jnp.float32)
    B_dist = 2.0 * jnp.pi * scale * jax.random.normal(k4, (64, dim_embedding // 2), dtype=jnp.float32)
    return {"X": X, "edge_idx": edge_idx, "C": C, "B_vec": B_vec, "B_dist": B_dist}


def reference(X, edge_idx, C, B_vec, B_dist):
    nb, L, K = edge_idx.shape
    G = X.shape[2]
    # --- Edge2grids ---
    X_flat = X.reshape(nb, L, G * 3)
    X_i = jnp.broadcast_to(X_flat[:, :, None, :], (nb, L, K, G * 3))
    X_j = _collect_neighbors(X_flat, edge_idx)
    X_ij = jnp.concatenate([X_i, X_j], axis=-1).reshape(nb, L, K, 2 * G, 3)
    mask_i = (C > 0).astype(jnp.float32)[..., None]
    mask_j = _collect_neighbors(mask_i, edge_idx)
    mask_ij = mask_i[:, :, None, :] * mask_j  # computed as in torch forward (not used downstream)
    # --- geometry.Distances over dim=-2 (pairwise distances among 2G points) ---
    dX = X_ij[..., None, :, :] - X_ij[..., :, None, :]
    D_ij = jnp.sqrt(jnp.sum(dX * dX, axis=-1) + _EPS)
    D_ij = D_ij.reshape(nb, L, K, (2 * G) * (2 * G))
    # --- FrameBuilder.inverse: frames from backbone N, CA, C ---
    X_N, X_CA, X_C = X[:, :, 0, :], X[:, :, 1, :], X[:, :, 2, :]
    u_CA_N = _normed_vec(X_N - X_CA)
    u_CA_C = _normed_vec(X_C - X_CA)
    n1 = u_CA_N
    n2 = _normed_cross(n1, u_CA_C)
    n3 = _normed_cross(n1, n2)
    R_i = jnp.stack([n1, n2, n3], axis=-1)
    t_i = X_CA
    # --- collect_neighbor_transforms ---
    R_j = _collect_neighbors(R_i, edge_idx)
    t_j = _collect_neighbors(t_i, edge_idx)
    # --- compose_inner_transforms(R_j, t_j, R_i, t_i): T_ji = T_i^{-1} o T_j ---
    R_i_exp = R_i[:, :, None, :, :]
    t_i_exp = t_i[:, :, None, :]
    R_i_inv = jnp.swapaxes(R_i_exp, -1, -2)
    t_ji = jnp.einsum('...ij,...j->...i', R_i_inv, t_j - t_i_exp)
    R_ji = jnp.matmul(R_i_inv, R_j)  # unused (use_quaternion=False)
    edge_h = _fourier(t_ji, B_vec) + _fourier(D_ij, B_dist)
    return edge_h

if __name__ == "__main__":
    import jax
    _d = setup_inputs()
    print(jax.jit(kernel)(*tuple(_d.values())))

</pallas_src>

<mosaic_0001>
#map = affine_map<(d0, d1) -> (0, 0)>
#map1 = affine_map<(d0, d1) -> (0)>
module attributes {stable_mosaic.version = 14 : i64} {
  func.func @gk(%arg0: i32, %arg1: i32, %arg2: memref<10000x16xf32, #tpu.memory_space<hbm>>, %arg3: memref<320000xi32, #tpu.memory_space<hbm>>, %arg4: memref<320000x16xf32, #tpu.memory_space<hbm>>, %arg5: memref<2000xi32, #tpu.memory_space<vmem>>, %arg6: memref<2000x16xf32, #tpu.memory_space<vmem>>, %arg7: memref<!tpu.dma_semaphore, #tpu.memory_space<semaphore_mem>>) attributes {dimension_semantics = [#tpu.dimension_semantics<core_parallel>, #tpu.dimension_semantics<subcore_parallel>], iteration_bounds = array<i64: 2, 16>, scalar_prefetch = 0 : i64, scratch_operands = 3 : i64, tpu.core_type = #tpu.core_type<sc_vector_subcore>, window_params = [{transform_indices = #map}, {transform_indices = #map1}, {transform_indices = #map}]} {
    %mul3A = arith.constant 2 : i32
    %mul3A_0 = arith.muli %arg1, %mul3A : i32
    %add3A = arith.addi %mul3A_0, %arg0 : i32
    %mul3A_1 = arith.constant 10000 : i32
    %mul3A_2 = arith.muli %add3A, %mul3A_1 : i32
    %scan3A = arith.constant 0 : i32
    %scan3A_3 = arith.constant 0 : i32
    %scan3A_4 = arith.constant 5 : i32
    %scan3A_5 = arith.addi %scan3A_3, %scan3A_4 : i32
    %scan3A_6 = arith.constant 1 : i32
    scf.for %scan3A_8 = %scan3A_3 to %scan3A_5 step %scan3A_6  : i32 {
      %mul3A_9 = arith.constant 2000 : i32
      %mul3A_10 = arith.muli %scan3A_8, %mul3A_9 : i32
      %add3A_11 = arith.addi %mul3A_2, %mul3A_10 : i32
      "tpu.region"() ({
        %run_scoped3A = tpu.sem_alloc : memref<!tpu.dma_semaphore, #tpu.memory_space<semaphore_mem>>
        %dma_start3A_16 = tpu.memref_slice %arg3[%add3A_11] : memref<320000xi32, #tpu.memory_space<hbm>> -> memref<2000xi32, #tpu.memory_space<hbm>>
        %dma_start3A_17 = tpu.memref_slice %arg3[%add3A_11] : memref<320000xi32, #tpu.memory_space<hbm>> -> memref<2000xi32, #tpu.memory_space<hbm>>
        tpu.enqueue_dma source(%dma_start3A_17 : memref<2000xi32, #tpu.memory_space<hbm>>) target(%arg5 : memref<2000xi32, #tpu.memory_space<vmem>>) target_semaphore(%run_scoped3A : memref<!tpu.dma_semaphore, #tpu.memory_space<semaphore_mem>>)
        %dma_wait3A_18 = tpu.memref_slice %arg3[%add3A_11] : memref<320000xi32, #tpu.memory_space<hbm>> -> memref<2000xi32, #tpu.memory_space<hbm>>
        %dma_wait3A_19 = tpu.memref_slice %arg3[%add3A_11] : memref<320000xi32, #tpu.memory_space<hbm>> -> memref<2000xi32, #tpu.memory_space<hbm>>
        tpu.wait_dma2 semaphore(%run_scoped3A : memref<!tpu.dma_semaphore, #tpu.memory_space<semaphore_mem>>) src(%dma_wait3A_19 : memref<2000xi32, #tpu.memory_space<hbm>>) dst(%arg5 : memref<2000xi32, #tpu.memory_space<vmem>>)
        tpu.yield
      }) : () -> ()
      %dma_start3A = arith.constant 0 : i32
      %dma_start3A_12 = arith.constant 0 : i32
      %dma_start3A_13 = tpu.memref_slice %arg2[%dma_start3A, %dma_start3A_12] : memref<10000x16xf32, #tpu.memory_space<hbm>> -> memref<10000x16xf32, #tpu.memory_space<hbm>>
      tpu.enqueue_indirect_dma source(%dma_start3A_13 : memref<10000x16xf32, #tpu.memory_space<hbm>>) target(%arg6 : memref<2000x16xf32, #tpu.memory_space<vmem>>) offsets(%arg5 : memref<2000xi32, #tpu.memory_space<vmem>>) semaphore(%arg7 : memref<!tpu.dma_semaphore, #tpu.memory_space<semaphore_mem>>)
      %dma_wait3A = arith.constant 0 : i32
      %dma_wait3A_14 = arith.constant 0 : i32
      %dma_wait3A_15 = tpu.memref_slice %arg2[%dma_wait3A, %dma_wait3A_14] : memref<10000x16xf32, #tpu.memory_space<hbm>> -> memref<10000x16xf32, #tpu.memory_space<hbm>>
      tpu.wait_indirect_dma semaphore(%arg7 : memref<!tpu.dma_semaphore, #tpu.memory_space<semaphore_mem>>) src(%dma_wait3A_15 : memref<10000x16xf32, #tpu.memory_space<hbm>>) dst(%arg6 : memref<2000x16xf32, #tpu.memory_space<vmem>>)
      "tpu.region"() ({
        %run_scoped3A = tpu.sem_alloc : memref<!tpu.dma_semaphore, #tpu.memory_space<semaphore_mem>>
        %dma_start3A_16 = arith.constant 0 : i32
        %dma_start3A_17 = tpu.memref_slice %arg4[%add3A_11, %dma_start3A_16] : memref<320000x16xf32, #tpu.memory_space<hbm>> -> memref<2000x16xf32, #tpu.memory_space<hbm>>
        %dma_start3A_18 = arith.constant 0 : i32
        %dma_start3A_19 = tpu.memref_slice %arg4[%add3A_11, %dma_start3A_18] : memref<320000x16xf32, #tpu.memory_space<hbm>> -> memref<2000x16xf32, #tpu.memory_space<hbm>>
        tpu.enqueue_dma source(%arg6 : memref<2000x16xf32, #tpu.memory_space<vmem>>) target(%dma_start3A_19 : memref<2000x16xf32, #tpu.memory_space<hbm>>) target_semaphore(%run_scoped3A : memref<!tpu.dma_semaphore, #tpu.memory_space<semaphore_mem>>)
        %dma_wait3A_20 = arith.constant 0 : i32
        %dma_wait3A_21 = tpu.memref_slice %arg4[%add3A_11, %dma_wait3A_20] : memref<320000x16xf32, #tpu.memory_space<hbm>> -> memref<2000x16xf32, #tpu.memory_space<hbm>>
        %dma_wait3A_22 = arith.constant 0 : i32
        %dma_wait3A_23 = tpu.memref_slice %arg4[%add3A_11, %dma_wait3A_22] : memref<320000x16xf32, #tpu.memory_space<hbm>> -> memref<2000x16xf32, #tpu.memory_space<hbm>>
        tpu.wait_dma2 semaphore(%run_scoped3A : memref<!tpu.dma_semaphore, #tpu.memory_space<semaphore_mem>>) src(%arg6 : memref<2000x16xf32, #tpu.memory_space<vmem>>) dst(%dma_wait3A_23 : memref<2000x16xf32, #tpu.memory_space<hbm>>)
        tpu.yield
      }) : () -> ()
    }
    %scan3A_7 = arith.constant 5 : i32
    return
  }
}

module attributes {stable_mosaic.version = 14 : i64} {
  func.func @_frames_body(%arg0: memref<9x79x128xf32, #tpu.memory_space<vmem>>, %arg1: memref<9x79x128xf32, #tpu.memory_space<vmem>>) attributes {dimension_semantics = [], scalar_prefetch = 0 : i64, scratch_operands = 0 : i64, tpu.core_type = #tpu.core_type<tc>} {
    %get3A = arith.constant 0 : index
    %get3A_0 = arith.constant 0 : index
    %get3A_1 = arith.constant 0 : index
    %get3A_2 = vector.load %arg0[%get3A, %get3A_0, %get3A_1] : memref<9x79x128xf32, #tpu.memory_space<vmem>>, vector<1x79x128xf32>
    %get3A_3 = vector.shape_cast %get3A_2 : vector<1x79x128xf32> to vector<79x128xf32>
    %get3A_4 = arith.constant 1 : index
    %get3A_5 = arith.constant 0 : index
    %get3A_6 = arith.constant 0 : index
    %get3A_7 = vector.load %arg0[%get3A_4, %get3A_5, %get3A_6] : memref<9x79x128xf32, #tpu.memory_space<vmem>>, vector<1x79x128xf32>
    %get3A_8 = vector.shape_cast %get3A_7 : vector<1x79x128xf32> to vector<79x128xf32>
    %get3A_9 = arith.constant 2 : index
    %get3A_10 = arith.constant 0 : index
    %get3A_11 = arith.constant 0 : index
    %get3A_12 = vector.load %arg0[%get3A_9, %get3A_10, %get3A_11] : memref<9x79x128xf32, #tpu.memory_space<vmem>>, vector<1x79x128xf32>
    %get3A_13 = vector.shape_cast %get3A_12 : vector<1x79x128xf32> to vector<79x128xf32>
    %get3A_14 = arith.constant 3 : index
    %get3A_15 = arith.constant 0 : index
    %get3A_16 = arith.constant 0 : index
    %get3A_17 = vector.load %arg0[%get3A_14, %get3A_15, %get3A_16] : memref<9x79x128xf32, #tpu.memory_space<vmem>>, vector<1x79x128xf32>
    %get3A_18 = vector.shape_cast %get3A_17 : vector<1x79x128xf32> to vector<79x128xf32>
    %get3A_19 = arith.constant 4 : index
    %get3A_20 = arith.constant 0 : index
    %get3A_21 = arith.constant 0 : index
    %get3A_22 = vector.load %arg0[%get3A_19, %get3A_20, %get3A_21] : memref<9x79x128xf32, #tpu.memory_space<vmem>>, vector<1x79x128xf32>
    %get3A_23 = vector.shape_cast %get3A_22 : vector<1x79x128xf32> to vector<79x128xf32>
    %get3A_24 = arith.constant 5 : index
    %get3A_25 = arith.constant 0 : index
    %get3A_26 = arith.constant 0 : index
    %get3A_27 = vector.load %arg0[%get3A_24, %get3A_25, %get3A_26] : memref<9x79x128xf32, #tpu.memory_space<vmem>>, vector<1x79x128xf32>
    %get3A_28 = vector.shape_cast %get3A_27 : vector<1x79x128xf32> to vector<79x128xf32>
    %get3A_29 = arith.constant 6 : index
    %get3A_30 = arith.constant 0 : index
    %get3A_31 = arith.constant 0 : index
    %get3A_32 = vector.load %arg0[%get3A_29, %get3A_30, %get3A_31] : memref<9x79x128xf32, #tpu.memory_space<vmem>>, vector<1x79x128xf32>
    %get3A_33 = vector.shape_cast %get3A_32 : vector<1x79x128xf32> to vector<79x128xf32>
    %get3A_34 = arith.constant 7 : index
    %get3A_35 = arith.constant 0 : index
    %get3A_36 = arith.constant 0 : index
    %get3A_37 = vector.load %arg0[%get3A_34, %get3A_35, %get3A_36] : memref<9x79x128xf32, #tpu.memory_space<vmem>>, vector<1x79x128xf32>
    %get3A_38 = vector.shape_cast %get3A_37 : vector<1x79x128xf32> to vector<79x128xf32>
    %get3A_39 = arith.constant 8 : index
    %get3A_40 = arith.constant 0 : index
    %get3A_41 = arith.constant 0 : index
    %get3A_42 = vector.load %arg0[%get3A_39, %get3A_40, %get3A_41] : memref<9x79x128xf32, #tpu.memory_space<vmem>>, vector<1x79x128xf32>
    %get3A_43 = vector.shape_cast %get3A_42 : vector<1x79x128xf32> to vector<79x128xf32>
    %sub3A = arith.subf %get3A_3, %get3A_18 : vector<79x128xf32>
    %sub3A_44 = arith.subf %get3A_8, %get3A_23 : vector<79x128xf32>
    %sub3A_45 = arith.subf %get3A_13, %get3A_28 : vector<79x128xf32>
    %mul3A = arith.mulf %sub3A, %sub3A : vector<79x128xf32>
    %mul3A_46 = arith.mulf %sub3A_44, %sub3A_44 : vector<79x128xf32>
    %add3A = arith.addf %mul3A, %mul3A_46 : vector<79x128xf32>
    %mul3A_47 = arith.mulf %sub3A_45, %sub3A_45 : vector<79x128xf32>
    %add3A_48 = arith.addf %add3A, %mul3A_47 : vector<79x128xf32>
    %add3A_49 = arith.constant 1.000000e-03 : f32
    %add3A_50 = vector.broadcast %add3A_49 : f32 to vector<79x128xf32>
    %add3A_51 = arith.addf %add3A_48, %add3A_50 : vector<79x128xf32>
    %rsqrt3A = math.rsqrt %add3A_51 : vector<79x128xf32>
    %mul3A_52 = arith.constant 5.000000e-01 : f32
    %mul3A_53 = vector.broadcast %mul3A_52 : f32 to vector<79x128xf32>
    %mul3A_54 = arith.mulf %mul3A_53, %add3A_51 : vector<79x128xf32>
    %mul3A_55 = arith.mulf %mul3A_54, %rsqrt3A : vector<79x128xf32>
    %mul3A_56 = arith.mulf %mul3A_55, %rsqrt3A : vector<79x128xf32>
    %sub3A_57 = arith.constant 1.500000e+00 : f32
    %sub3A_58 = vector.broadcast %sub3A_57 : f32 to vector<79x128xf32>
    %sub3A_59 = arith.subf %sub3A_58, %mul3A_56 : vector<79x128xf32>
    %mul3A_60 = arith.mulf %rsqrt3A, %sub3A_59 : vector<79x128xf32>
    %mul3A_61 = arith.mulf %sub3A, %mul3A_60 : vector<79x128xf32>
    %mul3A_62 = arith.mulf %sub3A_44, %mul3A_60 : vector<79x128xf32>
    %mul3A_63 = arith.mulf %sub3A_45, %mul3A_60 : vector<79x128xf32>
    %sub3A_64 = arith.subf %get3A_33, %get3A_18 : vector<79x128xf32>
    %sub3A_65 = arith.subf %get3A_38, %get3A_23 : vector<79x128xf32>
    %sub3A_66 = arith.subf %get3A_43, %get3A_28 : vector<79x128xf32>
    %mul3A_67 = arith.mulf %sub3A_64, %sub3A_64 : vector<79x128xf32>
    %mul3A_68 = arith.mulf %sub3A_65, %sub3A_65 : vector<79x128xf32>
    %add3A_69 = arith.addf %mul3A_67, %mul3A_68 : vector<79x128xf32>
    %mul3A_70 = arith.mulf %sub3A_66, %sub3A_66 : vector<79x128xf32>
    %add3A_71 = arith.addf %add3A_69, %mul3A_70 : vector<79x128xf32>
    %add3A_72 = arith.constant 1.000000e-03 : f32
    %add3A_73 = vector.broadcast %add3A_72 : f32 to vector<79x128xf32>
    %add3A_74 = arith.addf %add3A_71, %add3A_73 : vector<79x128xf32>
    %rsqrt3A_75 = math.rsqrt %add3A_74 : vector<79x128xf32>
    %mul3A_76 = arith.constant 5.000000e-01 : f32
    %mul3A_77 = vector.broadcast %mul3A_76 : f32 to vector<79x128xf32>
    %mul3A_78 = arith.mulf %mul3A_77, %add3A_74 : vector<79x128xf32>
    %mul3A_79 = arith.mulf %mul3A_78, %rsqrt3A_75 : vector<79x128xf32>
    %mul3A_80 = arith.mulf %mul3A_79, %rsqrt3A_75 : vector<79x128xf32>
    %sub3A_81 = arith.constant 1.500000e+00 : f32
    %sub3A_82 = vector.broadcast %sub3A_81 : f32 to vector<79x128xf32>
    %sub3A_83 = arith.subf %sub3A_82, %mul3A_80 : vector<79x128xf32>
    %mul3A_84 = arith.mulf %rsqrt3A_75, %sub3A_83 : vector<79x128xf32>
    %mul3A_85 = arith.mulf %sub3A_64, %mul3A_84 : vector<79x128xf32>
    %mul3A_86 = arith.mulf %sub3A_65, %mul3A_84 : vector<79x128xf32>
    %mul3A_87 = arith.mulf %sub3A_66, %mul3A_84 : vector<79x128xf32>
    %mul3A_88 = arith.mulf %mul3A_62, %mul3A_87 : vector<79x128xf32>
    %mul3A_89 = arith.mulf %mul3A_63, %mul3A_86 : vector<79x128xf32>
    %sub3A_90 = arith.subf %mul3A_88, %mul3A_89 : vector<79x128xf32>
    %mul3A_91 = arith.mulf %mul3A_63, %mul3A_85 : vector<79x128xf32>
    %mul3A_92 = arith.mulf %mul3A_61, %mul3A_87 : vector<79x128xf32>
    %sub3A_93 = arith.subf %mul3A_91, %mul3A_92 : vector<79x128xf32>
    %mul3A_94 = arith.mulf %mul3A_61, %mul3A_86 : vector<79x128xf32>
    %mul3A_95 = arith.mulf %mul3A_62, %mul3A_85 : vector<79x128xf32>
    %sub3A_96 = arith.subf %mul3A_94, %mul3A_95 : vector<79x128xf32>
    %mul3A_97 = arith.mulf %sub3A_90, %sub3A_90 : vector<79x128xf32>
    %mul3A_98 = arith.mulf %sub3A_93, %sub3A_93 : vector<79x128xf32>
    %add3A_99 = arith.addf %mul3A_97, %mul3A_98 : vector<79x128xf32>
    %mul3A_100 = arith.mulf %sub3A_96, %sub3A_96 : vector<79x128xf32>
    %add3A_101 = arith.addf %add3A_99, %mul3A_100 : vector<79x128xf32>
    %add3A_102 = arith.constant 1.000000e-03 : f32
    %add3A_103 = vector.broadcast %add3A_102 : f32 to vector<79x128xf32>
    %add3A_104 = arith.addf %add3A_101, %add3A_103 : vector<79x128xf32>
    %rsqrt3A_105 = math.rsqrt %add3A_104 : vector<79x128xf32>
    %mul3A_106 = arith.constant 5.000000e-01 : f32
    %mul3A_107 = vector.broadcast %mul3A_106 : f32 to vector<79x128xf32>
    %mul3A_108 = arith.mulf %mul3A_107, %add3A_104 : vector<79x128xf32>
    %mul3A_109 = arith.mulf %mul3A_108, %rsqrt3A_105 : vector<79x128xf32>
    %mul3A_110 = arith.mulf %mul3A_109, %rsqrt3A_105 : vector<79x128xf32>
    %sub3A_111 = arith.constant 1.500000e+00 : f32
    %sub3A_112 = vector.broadcast %sub3A_111 : f32 to vector<79x128xf32>
    %sub3A_113 = arith.subf %sub3A_112, %mul3A_110 : vector<79x128xf32>
    %mul3A_114 = arith.mulf %rsqrt3A_105, %sub3A_113 : vector<79x128xf32>
    %mul3A_115 = arith.mulf %sub3A_90, %mul3A_114 : vector<79x128xf32>
    %mul3A_116 = arith.mulf %sub3A_93, %mul3A_114 : vector<79x128xf32>
    %mul3A_117 = arith.mulf %sub3A_96, %mul3A_114 : vector<79x128xf32>
    %mul3A_118 = arith.mulf %mul3A_62, %mul3A_117 : vector<79x128xf32>
    %mul3A_119 = arith.mulf %mul3A_63, %mul3A_116 : vector<79x128xf32>
    %sub3A_120 = arith.subf %mul3A_118, %mul3A_119 : vector<79x128xf32>
    %mul3A_121 = arith.mulf %mul3A_63, %mul3A_115 : vector<79x128xf32>
    %mul3A_122 = arith.mulf %mul3A_61, %mul3A_117 : vector<79x128xf32>
    %sub3A_123 = arith.subf %mul3A_121, %mul3A_122 : vector<79x128xf32>
    %mul3A_124 = arith.mulf %mul3A_61, %mul3A_116 : vector<79x128xf32>
    %mul3A_125 = arith.mulf %mul3A_62, %mul3A_115 : vector<79x128xf32>
    %sub3A_126 = arith.subf %mul3A_124, %mul3A_125 : vector<79x128xf32>
    %mul3A_127 = arith.mulf %sub3A_120, %sub3A_120 : vector<79x128xf32>
    %mul3A_128 = arith.mulf %sub3A_123, %sub3A_123 : vector<79x128xf32>
    %add3A_129 = arith.addf %mul3A_127, %mul3A_128 : vector<79x128xf32>
    %mul3A_130 = arith.mulf %sub3A_126, %sub3A_126 : vector<79x128xf32>
    %add3A_131 = arith.addf %add3A_129, %mul3A_130 : vector<79x128xf32>
    %add3A_132 = arith.constant 1.000000e-03 : f32
    %add3A_133 = vector.broadcast %add3A_132 : f32 to vector<79x128xf32>
    %add3A_134 = arith.addf %add3A_131, %add3A_133 : vector<79x128xf32>
    %rsqrt3A_135 = math.rsqrt %add3A_134 : vector<79x128xf32>
    %mul3A_136 = arith.constant 5.000000e-01 : f32
    %mul3A_137 = vector.broadcast %mul3A_136 : f32 to vector<79x128xf32>
    %mul3A_138 = arith.mulf %mul3A_137, %add3A_134 : vector<79x128xf32>
    %mul3A_139 = arith.mulf %mul3A_138, %rsqrt3A_135 : vector<79x128xf32>
    %mul3A_140 = arith.mulf %mul3A_139, %rsqrt3A_135 : vector<79x128xf32>
    %sub3A_141 = arith.constant 1.500000e+00 : f32
    %sub3A_142 = vector.broadcast %sub3A_141 : f32 to vector<79x128xf32>
    %sub3A_143 = arith.subf %sub3A_142, %mul3A_140 : vector<79x128xf32>
    %mul3A_144 = arith.mulf %rsqrt3A_135, %sub3A_143 : vector<79x128xf32>
    %mul3A_145 = arith.mulf %sub3A_120, %mul3A_144 : vector<79x128xf32>
    %mul3A_146 = arith.mulf %sub3A_123, %mul3A_144 : vector<79x128xf32>
    %mul3A_147 = arith.mulf %sub3A_126, %mul3A_144 : vector<79x128xf32>
    %convert_element_type3A = arith.truncf %mul3A_61 : vector<79x128xf32> to vector<79x128xbf16>
    %convert_element_type3A_148 = arith.extf %convert_element_type3A : vector<79x128xbf16> to vector<79x128xf32>
    %convert_element_type3A_149 = arith.truncf %mul3A_62 : vector<79x128xf32> to vector<79x128xbf16>
    %convert_element_type3A_150 = arith.extf %convert_element_type3A_149 : vector<79x128xbf16> to vector<79x128xf32>
    %convert_element_type3A_151 = arith.truncf %mul3A_63 : vector<79x128xf32> to vector<79x128xbf16>
    %convert_element_type3A_152 = arith.extf %convert_element_type3A_151 : vector<79x128xbf16> to vector<79x128xf32>
    %convert_element_type3A_153 = arith.truncf %mul3A_115 : vector<79x128xf32> to vector<79x128xbf16>
    %convert_element_type3A_154 = arith.extf %convert_element_type3A_153 : vector<79x128xbf16> to vector<79x128xf32>
    %convert_element_type3A_155 = arith.truncf %mul3A_116 : vector<79x128xf32> to vector<79x128xbf16>
    %convert_element_type3A_156 = arith.extf %convert_element_type3A_155 : vector<79x128xbf16> to vector<79x128xf32>
    %convert_element_type3A_157 = arith.truncf %mul3A_117 : vector<79x128xf32> to vector<79x128xbf16>
    %convert_element_type3A_158 = arith.extf %convert_element_type3A_157 : vector<79x128xbf16> to vector<79x128xf32>
    %convert_element_type3A_159 = arith.truncf %mul3A_145 : vector<79x128xf32> to vector<79x128xbf16>
    %convert_element_type3A_160 = arith.extf %convert_element_type3A_159 : vector<79x128xbf16> to vector<79x128xf32>
    %convert_element_type3A_161 = arith.truncf %mul3A_146 : vector<79x128xf32> to vector<79x128xbf16>
    %convert_element_type3A_162 = arith.extf %convert_element_type3A_161 : vector<79x128xbf16> to vector<79x128xf32>
    %convert_element_type3A_163 = arith.truncf %mul3A_147 : vector<79x128xf32> to vector<79x128xbf16>
    %convert_element_type3A_164 = arith.extf %convert_element_type3A_163 : vector<79x128xbf16> to vector<79x128xf32>
    %swap3A = arith.constant 0 : index
    %swap3A_165 = arith.constant 0 : index
    %swap3A_166 = arith.constant 0 : index
    %swap3A_167 = vector.load %arg1[%swap3A, %swap3A_165, %swap3A_166] : memref<9x79x128xf32, #tpu.memory_space<vmem>>, vector<1x79x128xf32>
    %swap3A_168 = vector.shape_cast %swap3A_167 : vector<1x79x128xf32> to vector<79x128xf32>
    %swap3A_169 = vector.shape_cast %convert_element_type3A_148 : vector<79x128xf32> to vector<1x79x128xf32>
    tpu.vector_store %arg1[%swap3A, %swap3A_165, %swap3A_166], %swap3A_169 {strides = array<i32>} : memref<9x79x128xf32, #tpu.memory_space<vmem>>, vector<1x79x128xf32>,
    %swap3A_170 = arith.constant 1 : index
    %swap3A_171 = arith.constant 0 : index
    %swap3A_172 = arith.constant 0 : index
    %swap3A_173 = vector.load %arg1[%swap3A_170, %swap3A_171, %swap3A_172] : memref<9x79x128xf32, #tpu.memory_space<vmem>>, vector<1x79x128xf32>
    %swap3A_174 = vector.shape_cast %swap3A_173 : vector<1x79x128xf32> to vector<79x128xf32>
    %swap3A_175 = vector.shape_cast %convert_element_type3A_150 : vector<79x128xf32> to vector<1x79x128xf32>
    tpu.vector_store %arg1[%swap3A_170, %swap3A_171, %swap3A_172], %swap3A_175 {strides = array<i32>} : memref<9x79x128xf32, #tpu.memory_space<vmem>>, vector<1x79x128xf32>,
    %swap3A_176 = arith.constant 2 : index
    %swap3A_177 = arith.constant 0 : index
    %swap3A_178 = arith.constant 0 : index
    %swap3A_179 = vector.load %arg1[%swap3A_176, %swap3A_177, %swap3A_178] : memref<9x79x128xf32, #tpu.memory_space<vmem>>, vector<1x79x128xf32>
    %swap3A_180 = vector.shape_cast %swap3A_179 : vector<1x79x128xf32> to vector<79x128xf32>
    %swap3A_181 = vector.shape_cast %convert_element_type3A_152 : vector<79x128xf32> to vector<1x79x128xf32>
    tpu.vector_store %arg1[%swap3A_176, %swap3A_177, %swap3A_178], %swap3A_181 {strides = array<i32>} : memref<9x79x128xf32, #tpu.memory_space<vmem>>, vector<1x79x128xf32>,
    %swap3A_182 = arith.constant 3 : index
    %swap3A_183 = arith.constant 0 : index
    %swap3A_184 = arith.constant 0 : index
    %swap3A_185 = vector.load %arg1[%swap3A_182, %swap3A_183, %swap3A_184] : memref<9x79x128xf32, #tpu.memory_space<vmem>>, vector<1x79x128xf32>
    %swap3A_186 = vector.shape_cast %swap3A_185 : vector<1x79x128xf32> to vector<79x128xf32>
    %swap3A_187 = vector.shape_cast %convert_element_type3A_154 : vector<79x128xf32> to vector<1x79x128xf32>
    tpu.vector_store %arg1[%swap3A_182, %swap3A_183, %swap3A_184], %swap3A_187 {strides = array<i32>} : memref<9x79x128xf32, #tpu.memory_space<vmem>>, vector<1x79x128xf32>,
    %swap3A_188 = arith.constant 4 : index
    %swap3A_189 = arith.constant 0 : index
    %swap3A_190 = arith.constant 0 : index
    %swap3A_191 = vector.load %arg1[%swap3A_188, %swap3A_189, %swap3A_190] : memref<9x79x128xf32, #tpu.memory_space<vmem>>, vector<1x79x128xf32>
    %swap3A_192 = vector.shape_cast %swap3A_191 : vector<1x79x128xf32> to vector<79x128xf32>
    %swap3A_193 = vector.shape_cast %convert_element_type3A_156 : vector<79x128xf32> to vector<1x79x128xf32>
    tpu.vector_store %arg1[%swap3A_188, %swap3A_189, %swap3A_190], %swap3A_193 {strides = array<i32>} : memref<9x79x128xf32, #tpu.memory_space<vmem>>, vector<1x79x128xf32>,
    %swap3A_194 = arith.constant 5 : index
    %swap3A_195 = arith.constant 0 : index
    %swap3A_196 = arith.constant 0 : index
    %swap3A_197 = vector.load %arg1[%swap3A_194, %swap3A_195, %swap3A_196] : memref<9x79x128xf32, #tpu.memory_space<vmem>>, vector<1x79x128xf32>
    %swap3A_198 = vector.shape_cast %swap3A_197 : vector<1x79x128xf32> to vector<79x128xf32>
    %swap3A_199 = vector.shape_cast %convert_element_type3A_158 : vector<79x128xf32> to vector<1x79x128xf32>
    tpu.vector_store %arg1[%swap3A_194, %swap3A_195, %swap3A_196], %swap3A_199 {strides = array<i32>} : memref<9x79x128xf32, #tpu.memory_space<vmem>>, vector<1x79x128xf32>,
    %swap3A_200 = arith.constant 6 : index
    %swap3A_201 = arith.constant 0 : index
    %swap3A_202 = arith.constant 0 : index
    %swap3A_203 = vector.load %arg1[%swap3A_200, %swap3A_201, %swap3A_202] : memref<9x79x128xf32, #tpu.memory_space<vmem>>, vector<1x79x128xf32>
    %swap3A_204 = vector.shape_cast %swap3A_203 : vector<1x79x128xf32> to vector<79x128xf32>
    %swap3A_205 = vector.shape_cast %convert_element_type3A_160 : vector<79x128xf32> to vector<1x79x128xf32>
    tpu.vector_store %arg1[%swap3A_200, %swap3A_201, %swap3A_202], %swap3A_205 {strides = array<i32>} : memref<9x79x128xf32, #tpu.memory_space<vmem>>, vector<1x79x128xf32>,
    %swap3A_206 = arith.constant 7 : index
    %swap3A_207 = arith.constant 0 : index
    %swap3A_208 = arith.constant 0 : index
    %swap3A_209 = vector.load %arg1[%swap3A_206, %swap3A_207, %swap3A_208] : memref<9x79x128xf32, #tpu.memory_space<vmem>>, vector<1x79x128xf32>
    %swap3A_210 = vector.shape_cast %swap3A_209 : vector<1x79x128xf32> to vector<79x128xf32>
    %swap3A_211 = vector.shape_cast %convert_element_type3A_162 : vector<79x128xf32> to vector<1x79x128xf32>
    tpu.vector_store %arg1[%swap3A_206, %swap3A_207, %swap3A_208], %swap3A_211 {strides = array<i32>} : memref<9x79x128xf32, #tpu.memory_space<vmem>>, vector<1x79x128xf32>,
    %swap3A_212 = arith.constant 8 : index
    %swap3A_213 = arith.constant 0 : index
    %swap3A_214 = arith.constant 0 : index
    %swap3A_215 = vector.load %arg1[%swap3A_212, %swap3A_213, %swap3A_214] : memref<9x79x128xf32, #tpu.memory_space<vmem>>, vector<1x79x128xf32>
    %swap3A_216 = vector.shape_cast %swap3A_215 : vector<1x79x128xf32> to vector<79x128xf32>
    %swap3A_217 = vector.shape_cast %convert_element_type3A_164 : vector<79x128xf32> to vector<1x79x128xf32>
    tpu.vector_store %arg1[%swap3A_212, %swap3A_213, %swap3A_214], %swap3A_217 {strides = array<i32>} : memref<9x79x128xf32, #tpu.memory_space<vmem>>, vector<1x79x128xf32>,
    return
  }
}

module attributes {stable_mosaic.version = 14 : i64} {
  func.func @_main_body(%arg0: i32, %arg1: memref<2560x16xf32, #tpu.memory_space<vmem>>, %arg2: memref<80x25xf32, #tpu.memory_space<vmem>>, %arg3: memref<2560x80xbf16, #tpu.memory_space<vmem>>, %arg4: memref<32x192xf32, #tpu.memory_space<vmem>>, %arg5: memref<9x3xf32, #tpu.memory_space<vmem>>, %arg6: memref<3x64xf32, #tpu.memory_space<vmem>>, %arg7: memref<64x64xf32, #tpu.memory_space<vmem>>, %arg8: memref<2560x128xf32, #tpu.memory_space<vmem>>) attributes {dimension_semantics = [#tpu.dimension_semantics<arbitrary>], iteration_bounds = array<i64: 125>, scalar_prefetch = 0 : i64, scratch_operands = 0 : i64, tpu.core_type = #tpu.core_type<tc>, window_params = [{transform_indices = @transform_0, window_bounds = array<i64: 2560, 16>}, {transform_indices = @transform_1, window_bounds = array<i64: 80, 25>}, {pipeline_mode = #tpu.pipeline_mode<synchronous>, transform_indices = @transform_2, window_bounds = array<i64: 2560, 80>}, {pipeline_mode = #tpu.pipeline_mode<synchronous>, transform_indices = @transform_3, window_bounds = array<i64: 32, 192>}, {pipeline_mode = #tpu.pipeline_mode<synchronous>, transform_indices = @transform_4, window_bounds = array<i64: 9, 3>}, {pipeline_mode = #tpu.pipeline_mode<synchronous>, transform_indices = @transform_5, window_bounds = array<i64: 3, 64>}, {pipeline_mode = #tpu.pipeline_mode<synchronous>, transform_indices = @transform_6, window_bounds = array<i64: 64, 64>}, {transform_indices = @transform_7, window_bounds = array<i64: 2560, 128>}]} {
    %get3A = arith.constant 0 : index
    %get3A_0 = arith.constant 0 : index
    %get3A_1 = vector.load %arg1[%get3A, %get3A_0] : memref<2560x16xf32, #tpu.memory_space<vmem>>, vector<2560x16xf32>
    %get3A_2 = arith.constant 0 : index
    %get3A_3 = arith.constant 0 : index
    %get3A_4 = vector.load %arg2[%get3A_2, %get3A_3] : memref<80x25xf32, #tpu.memory_space<vmem>>, vector<80x25xf32>
    %get3A_5 = arith.constant 0 : index
    %get3A_6 = arith.constant 0 : index
    %get3A_7 = vector.load %arg3[%get3A_5, %get3A_6] : memref<2560x80xbf16, #tpu.memory_space<vmem>>, vector<2560x80xbf16>
    %convert_element_type3A = arith.truncf %get3A_4 : vector<80x25xf32> to vector<80x25xbf16>
    %convert_element_type3A_8 = arith.extf %convert_element_type3A : vector<80x25xbf16> to vector<80x25xf32>
    %sub3A = arith.subf %get3A_4, %convert_element_type3A_8 : vector<80x25xf32>
    %convert_element_type3A_9 = arith.truncf %sub3A : vector<80x25xf32> to vector<80x25xbf16>
    %convert_element_type3A_10 = arith.extf %convert_element_type3A_9 : vector<80x25xbf16> to vector<80x25xf32>
    %sub3A_11 = arith.subf %sub3A, %convert_element_type3A_10 : vector<80x25xf32>
    %convert_element_type3A_12 = arith.truncf %sub3A_11 : vector<80x25xf32> to vector<80x25xbf16>
    %dot_general3A = arith.constant dense<0.000000e+00> : vector<2560x25xf32>
    %dot_general3A_13 = tpu.matmul %get3A_7, %convert_element_type3A, %dot_general3A {dimension_numbers = #tpu.dot_dimension_numbers<[1], [0], [0], [1], [0, 0, 1, 1], [], []>, transpose_lhs_hint = false} : vector<2560x80xbf16>, vector<80x25xbf16>, vector<2560x25xf32> -> vector<2560x25xf32>
    %dot_general3A_14 = arith.constant dense<0.000000e+00> : vector<2560x25xf32>
    %dot_general3A_15 = tpu.matmul %get3A_7, %convert_element_type3A_9, %dot_general3A_14 {dimension_numbers = #tpu.dot_dimension_numbers<[1], [0], [0], [1], [0, 0, 1, 1], [], []>, transpose_lhs_hint = false} : vector<2560x80xbf16>, vector<80x25xbf16>, vector<2560x25xf32> -> vector<2560x25xf32>
    %add3A = arith.addf %dot_general3A_13, %dot_general3A_15 : vector<2560x25xf32>
    %dot_general3A_16 = arith.constant dense<0.000000e+00> : vector<2560x25xf32>
    %dot_general3A_17 = tpu.matmul %get3A_7, %convert_element_type3A_12, %dot_general3A_16 {dimension_numbers = #tpu.dot_dimension_numbers<[1], [0], [0], [1], [0, 0, 1, 1], [], []>, transpose_lhs_hint = false} : vector<2560x80xbf16>, vector<80x25xbf16>, vector<2560x25xf32> -> vector<2560x25xf32>
    %add3A_18 = arith.addf %add3A, %dot_general3A_17 : vector<2560x25xf32>
    %slice3A = vector.extract_strided_slice %add3A_18 {offsets = [0, 0], sizes = [2560, 16], strides = [1, 1]} : vector<2560x25xf32> to vector<2560x16xf32>
    %slice3A_19 = vector.extract_strided_slice %add3A_18 {offsets = [0, 16], sizes = [2560, 9], strides = [1, 1]} : vector<2560x25xf32> to vector<2560x9xf32>
    %concatenate3A = tpu.concatenate %slice3A, %get3A_1 in 1 : vector<2560x16xf32>, vector<2560x16xf32> -> vector<2560x32xf32>
    %get3A_20 = arith.constant 0 : index
    %get3A_21 = arith.constant 0 : index
    %get3A_22 = vector.load %arg4[%get3A_20, %get3A_21] : memref<32x192xf32, #tpu.memory_space<vmem>>, vector<32x192xf32>
    %convert_element_type3A_23 = arith.truncf %concatenate3A : vector<2560x32xf32> to vector<2560x32xbf16>
    %convert_element_type3A_24 = arith.extf %convert_element_type3A_23 : vector<2560x32xbf16> to vector<2560x32xf32>
    %sub3A_25 = arith.subf %concatenate3A, %convert_element_type3A_24 : vector<2560x32xf32>
    %convert_element_type3A_26 = arith.truncf %sub3A_25 : vector<2560x32xf32> to vector<2560x32xbf16>
    %convert_element_type3A_27 = arith.extf %convert_element_type3A_26 : vector<2560x32xbf16> to vector<2560x32xf32>
    %sub3A_28 = arith.subf %sub3A_25, %convert_element_type3A_27 : vector<2560x32xf32>
    %convert_element_type3A_29 = arith.truncf %sub3A_28 : vector<2560x32xf32> to vector<2560x32xbf16>
    %convert_element_type3A_30 = arith.truncf %get3A_22 : vector<32x192xf32> to vector<32x192xbf16>
    %dot_general3A_31 = arith.constant dense<0.000000e+00> : vector<2560x192xf32>
    %dot_general3A_32 = tpu.matmul %convert_element_type3A_23, %convert_element_type3A_30, %dot_general3A_31 {dimension_numbers = #tpu.dot_dimension_numbers<[1], [0], [0], [1], [0, 0, 1, 1], [], []>, transpose_lhs_hint = false} : vector<2560x32xbf16>, vector<32x192xbf16>, vector<2560x192xf32> -> vector<2560x192xf32>
    %dot_general3A_33 = arith.constant dense<0.000000e+00> : vector<2560x192xf32>
    %dot_general3A_34 = tpu.matmul %convert_element_type3A_26, %convert_element_type3A_30, %dot_general3A_33 {dimension_numbers = #tpu.dot_dimension_numbers<[1], [0], [0], [1], [0, 0, 1, 1], [], []>, transpose_lhs_hint = false} : vector<2560x32xbf16>, vector<32x192xbf16>, vector<2560x192xf32> -> vector<2560x192xf32>
    %add3A_35 = arith.addf %dot_general3A_32, %dot_general3A_34 : vector<2560x192xf32>
    %dot_general3A_36 = arith.constant dense<0.000000e+00> : vector<2560x192xf32>
    %dot_general3A_37 = tpu.matmul %convert_element_type3A_29, %convert_element_type3A_30, %dot_general3A_36 {dimension_numbers = #tpu.dot_dimension_numbers<[1], [0], [0], [1], [0, 0, 1, 1], [], []>, transpose_lhs_hint = false} : vector<2560x32xbf16>, vector<32x192xbf16>, vector<2560x192xf32> -> vector<2560x192xf32>
    %add3A_38 = arith.addf %add3A_35, %dot_general3A_37 : vector<2560x192xf32>
    %mul3A = arith.mulf %add3A_38, %add3A_38 : vector<2560x192xf32>
    %slice3A_39 = vector.extract_strided_slice %mul3A {offsets = [0, 0], sizes = [2560, 64], strides = [1, 1]} : vector<2560x192xf32> to vector<2560x64xf32>
    %slice3A_40 = vector.extract_strided_slice %mul3A {offsets = [0, 64], sizes = [2560, 64], strides = [1, 1]} : vector<2560x192xf32> to vector<2560x64xf32>
    %add3A_41 = arith.addf %slice3A_39, %slice3A_40 : vector<2560x64xf32>
    %slice3A_42 = vector.extract_strided_slice %mul3A {offsets = [0, 128], sizes = [2560, 64], strides = [1, 1]} : vector<2560x192xf32> to vector<2560x64xf32>
    %add3A_43 = arith.addf %add3A_41, %slice3A_42 : vector<2560x64xf32>
    %add3A_44 = arith.constant 1.000000e-03 : f32
    %add3A_45 = vector.broadcast %add3A_44 : f32 to vector<2560x64xf32>
    %add3A_46 = arith.addf %add3A_43, %add3A_45 : vector<2560x64xf32>
    %rsqrt3A = math.rsqrt %add3A_46 : vector<2560x64xf32>
    %mul3A_47 = arith.constant 5.000000e-01 : f32
    %mul3A_48 = vector.broadcast %mul3A_47 : f32 to vector<2560x64xf32>
    %mul3A_49 = arith.mulf %mul3A_48, %add3A_46 : vector<2560x64xf32>
    %mul3A_50 = arith.mulf %mul3A_49, %rsqrt3A : vector<2560x64xf32>
    %mul3A_51 = arith.mulf %mul3A_50, %rsqrt3A : vector<2560x64xf32>
    %sub3A_52 = arith.constant 1.500000e+00 : f32
    %sub3A_53 = vector.broadcast %sub3A_52 : f32 to vector<2560x64xf32>
    %sub3A_54 = arith.subf %sub3A_53, %mul3A_51 : vector<2560x64xf32>
    %mul3A_55 = arith.mulf %rsqrt3A, %sub3A_54 : vector<2560x64xf32>
    %mul3A_56 = arith.mulf %add3A_46, %mul3A_55 : vector<2560x64xf32>
    %slice3A_57 = vector.extract_strided_slice %get3A_1 {offsets = [0, 3], sizes = [2560, 3], strides = [1, 1]} : vector<2560x16xf32> to vector<2560x3xf32>
    %slice3A_58 = vector.extract_strided_slice %add3A_18 {offsets = [0, 3], sizes = [2560, 3], strides = [1, 1]} : vector<2560x25xf32> to vector<2560x3xf32>
    %sub3A_59 = arith.subf %slice3A_57, %slice3A_58 : vector<2560x3xf32>
    %convert_element_type3A_60 = arith.truncf %sub3A_59 : vector<2560x3xf32> to vector<2560x3xbf16>
    %convert_element_type3A_61 = arith.extf %convert_element_type3A_60 : vector<2560x3xbf16> to vector<2560x3xf32>
    %concatenate3A_62 = tpu.concatenate %convert_element_type3A_61, %convert_element_type3A_61, %convert_element_type3A_61 in 1 : vector<2560x3xf32>, vector<2560x3xf32>, vector<2560x3xf32> -> vector<2560x9xf32>
    %mul3A_63 = arith.mulf %slice3A_19, %concatenate3A_62 : vector<2560x9xf32>
    %get3A_64 = arith.constant 0 : index
    %get3A_65 = arith.constant 0 : index
    %get3A_66 = vector.load %arg5[%get3A_64, %get3A_65] : memref<9x3xf32, #tpu.memory_space<vmem>>, vector<9x3xf32>
    %convert_element_type3A_67 = arith.truncf %mul3A_63 : vector<2560x9xf32> to vector<2560x9xbf16>
    %convert_element_type3A_68 = arith.extf %convert_element_type3A_67 : vector<2560x9xbf16> to vector<2560x9xf32>
    %sub3A_69 = arith.subf %mul3A_63, %convert_element_type3A_68 : vector<2560x9xf32>
    %convert_element_type3A_70 = arith.truncf %sub3A_69 : vector<2560x9xf32> to vector<2560x9xbf16>
    %convert_element_type3A_71 = arith.truncf %get3A_66 : vector<9x3xf32> to vector<9x3xbf16>
    %dot_general3A_72 = arith.constant dense<0.000000e+00> : vector<2560x3xf32>
    %dot_general3A_73 = tpu.matmul %convert_element_type3A_67, %convert_element_type3A_71, %dot_general3A_72 {dimension_numbers = #tpu.dot_dimension_numbers<[1], [0], [0], [1], [0, 0, 1, 1], [], []>, transpose_lhs_hint = false} : vector<2560x9xbf16>, vector<9x3xbf16>, vector<2560x3xf32> -> vector<2560x3xf32>
    %dot_general3A_74 = arith.constant dense<0.000000e+00> : vector<2560x3xf32>
    %dot_general3A_75 = tpu.matmul %convert_element_type3A_70, %convert_element_type3A_71, %dot_general3A_74 {dimension_numbers = #tpu.dot_dimension_numbers<[1], [0], [0], [1], [0, 0, 1, 1], [], []>, transpose_lhs_hint = false} : vector<2560x9xbf16>, vector<9x3xbf16>, vector<2560x3xf32> -> vector<2560x3xf32>
    %add3A_76 = arith.addf %dot_general3A_73, %dot_general3A_75 : vector<2560x3xf32>
    %get3A_77 = arith.constant 0 : index
    %get3A_78 = arith.constant 0 : index
    %get3A_79 = vector.load %arg6[%get3A_77, %get3A_78] : memref<3x64xf32, #tpu.memory_space<vmem>>, vector<3x64xf32>
    %dot_general3A_80 = arith.constant dense<0.000000e+00> : vector<2560x64xf32>
    %dot_general3A_81 = tpu.matmul %add3A_76, %get3A_79, %dot_general3A_80 {dimension_numbers = #tpu.dot_dimension_numbers<[1], [0], [0], [1], [0, 0, 1, 1], [], []>, transpose_lhs_hint = false} : vector<2560x3xf32>, vector<3x64xf32>, vector<2560x64xf32> -> vector<2560x64xf32>
    %get3A_82 = arith.constant 0 : index
    %get3A_83 = arith.constant 0 : index
    %get3A_84 = vector.load %arg7[%get3A_82, %get3A_83] : memref<64x64xf32, #tpu.memory_space<vmem>>, vector<64x64xf32>
    %dot_general3A_85 = arith.constant dense<0.000000e+00> : vector<2560x64xf32>
    %dot_general3A_86 = tpu.matmul %mul3A_56, %get3A_84, %dot_general3A_85 {dimension_numbers = #tpu.dot_dimension_numbers<[1], [0], [0], [1], [0, 0, 1, 1], [], []>, transpose_lhs_hint = false} : vector<2560x64xf32>, vector<64x64xf32>, vector<2560x64xf32> -> vector<2560x64xf32>
    %mul3A_87 = arith.constant 0.159154937 : f32
    %mul3A_88 = vector.broadcast %mul3A_87 : f32 to vector<2560x64xf32>
    %mul3A_89 = arith.mulf %dot_general3A_81, %mul3A_88 : vector<2560x64xf32>
    %round3A = math.roundeven %mul3A_89 : vector<2560x64xf32>
    %mul3A_90 = arith.constant 6.28320313 : f32
    %mul3A_91 = vector.broadcast %mul3A_90 : f32 to vector<2560x64xf32>
    %mul3A_92 = arith.mulf %round3A, %mul3A_91 : vector<2560x64xf32>
    %sub3A_93 = arith.subf %dot_general3A_81, %mul3A_92 : vector<2560x64xf32>
    %mul3A_94 = arith.constant -1.78178198E-5 : f32
    %mul3A_95 = vector.broadcast %mul3A_94 : f32 to vector<2560x64xf32>
    %mul3A_96 = arith.mulf %round3A, %mul3A_95 : vector<2560x64xf32>
    %sub3A_97 = arith.subf %sub3A_93, %mul3A_96 : vector<2560x64xf32>
    %mul3A_98 = arith.mulf %sub3A_97, %sub3A_97 : vector<2560x64xf32>
    %mul3A_99 = arith.constant 2.16655712E-6 : f32
    %mul3A_100 = vector.broadcast %mul3A_99 : f32 to vector<2560x64xf32>
    %mul3A_101 = arith.mulf %mul3A_98, %mul3A_100 : vector<2560x64xf32>
    %add3A_102 = arith.constant -1.93036598E-4 : f32
    %add3A_103 = vector.broadcast %add3A_102 : f32 to vector<2560x64xf32>
    %add3A_104 = arith.addf %add3A_103, %mul3A_101 : vector<2560x64xf32>
    %mul3A_105 = arith.mulf %mul3A_98, %add3A_104 : vector<2560x64xf32>
    %add3A_106 = arith.constant 0.00831161439 : f32
    %add3A_107 = vector.broadcast %add3A_106 : f32 to vector<2560x64xf32>
    %add3A_108 = arith.addf %add3A_107, %mul3A_105 : vector<2560x64xf32>
    %mul3A_109 = arith.mulf %mul3A_98, %add3A_108 : vector<2560x64xf32>
    %add3A_110 = arith.constant -0.166630879 : f32
    %add3A_111 = vector.broadcast %add3A_110 : f32 to vector<2560x64xf32>
    %add3A_112 = arith.addf %add3A_111, %mul3A_109 : vector<2560x64xf32>
    %mul3A_113 = arith.mulf %mul3A_98, %add3A_112 : vector<2560x64xf32>
    %add3A_114 = arith.constant 0.999983608 : f32
    %add3A_115 = vector.broadcast %add3A_114 : f32 to vector<2560x64xf32>
    %add3A_116 = arith.addf %add3A_115, %mul3A_113 : vector<2560x64xf32>
    %mul3A_117 = arith.mulf %sub3A_97, %add3A_116 : vector<2560x64xf32>
    %mul3A_118 = arith.constant -2.21318658E-7 : f32
    %mul3A_119 = vector.broadcast %mul3A_118 : f32 to vector<2560x64xf32>
    %mul3A_120 = arith.mulf %mul3A_98, %mul3A_119 : vector<2560x64xf32>
    %add3A_121 = arith.constant 2.42399765E-5 : f32
    %add3A_122 = vector.broadcast %add3A_121 : f32 to vector<2560x64xf32>
    %add3A_123 = arith.addf %add3A_122, %mul3A_120 : vector<2560x64xf32>
    %mul3A_124 = arith.mulf %mul3A_98, %add3A_123 : vector<2560x64xf32>
    %add3A_125 = arith.constant -0.00138617796 : f32
    %add3A_126 = vector.broadcast %add3A_125 : f32 to vector<2560x64xf32>
    %add3A_127 = arith.addf %add3A_126, %mul3A_124 : vector<2560x64xf32>
    %mul3A_128 = arith.mulf %mul3A_98, %add3A_127 : vector<2560x64xf32>
    %add3A_129 = arith.constant 0.0416607484 : f32
    %add3A_130 = vector.broadcast %add3A_129 : f32 to vector<2560x64xf32>
    %add3A_131 = arith.addf %add3A_130, %mul3A_128 : vector<2560x64xf32>
    %mul3A_132 = arith.mulf %mul3A_98, %add3A_131 : vector<2560x64xf32>
    %add3A_133 = arith.constant -0.499995291 : f32
    %add3A_134 = vector.broadcast %add3A_133 : f32 to vector<2560x64xf32>
    %add3A_135 = arith.addf %add3A_134, %mul3A_132 : vector<2560x64xf32>
    %mul3A_136 = arith.mulf %mul3A_98, %add3A_135 : vector<2560x64xf32>
    %add3A_137 = arith.constant 0.999999403 : f32
    %add3A_138 = vector.broadcast %add3A_137 : f32 to vector<2560x64xf32>
    %add3A_139 = arith.addf %add3A_138, %mul3A_136 : vector<2560x64xf32>
    %mul3A_140 = arith.constant 0.159154937 : f32
    %mul3A_141 = vector.broadcast %mul3A_140 : f32 to vector<2560x64xf32>
    %mul3A_142 = arith.mulf %dot_general3A_86, %mul3A_141 : vector<2560x64xf32>
    %round3A_143 = math.roundeven %mul3A_142 : vector<2560x64xf32>
    %mul3A_144 = arith.constant 6.28320313 : f32
    %mul3A_145 = vector.broadcast %mul3A_144 : f32 to vector<2560x64xf32>
    %mul3A_146 = arith.mulf %round3A_143, %mul3A_145 : vector<2560x64xf32>
    %sub3A_147 = arith.subf %dot_general3A_86, %mul3A_146 : vector<2560x64xf32>
    %mul3A_148 = arith.constant -1.78178198E-5 : f32
    %mul3A_149 = vector.broadcast %mul3A_148 : f32 to vector<2560x64xf32>
    %mul3A_150 = arith.mulf %round3A_143, %mul3A_149 : vector<2560x64xf32>
    %sub3A_151 = arith.subf %sub3A_147, %mul3A_150 : vector<2560x64xf32>
    %mul3A_152 = arith.mulf %sub3A_151, %sub3A_151 : vector<2560x64xf32>
    %mul3A_153 = arith.constant 2.16655712E-6 : f32
    %mul3A_154 = vector.broadcast %mul3A_153 : f32 to vector<2560x64xf32>
    %mul3A_155 = arith.mulf %mul3A_152, %mul3A_154 : vector<2560x64xf32>
    %add3A_156 = arith.constant -1.93036598E-4 : f32
    %add3A_157 = vector.broadcast %add3A_156 : f32 to vector<2560x64xf32>
    %add3A_158 = arith.addf %add3A_157, %mul3A_155 : vector<2560x64xf32>
    %mul3A_159 = arith.mulf %mul3A_152, %add3A_158 : vector<2560x64xf32>
    %add3A_160 = arith.constant 0.00831161439 : f32
    %add3A_161 = vector.broadcast %add3A_160 : f32 to vector<2560x64xf32>
    %add3A_162 = arith.addf %add3A_161, %mul3A_159 : vector<2560x64xf32>
    %mul3A_163 = arith.mulf %mul3A_152, %add3A_162 : vector<2560x64xf32>
    %add3A_164 = arith.constant -0.166630879 : f32
    %add3A_165 = vector.broadcast %add3A_164 : f32 to vector<2560x64xf32>
    %add3A_166 = arith.addf %add3A_165, %mul3A_163 : vector<2560x64xf32>
    %mul3A_167 = arith.mulf %mul3A_152, %add3A_166 : vector<2560x64xf32>
    %add3A_168 = arith.constant 0.999983608 : f32
    %add3A_169 = vector.broadcast %add3A_168 : f32 to vector<2560x64xf32>
    %add3A_170 = arith.addf %add3A_169, %mul3A_167 : vector<2560x64xf32>
    %mul3A_171 = arith.mulf %sub3A_151, %add3A_170 : vector<2560x64xf32>
    %mul3A_172 = arith.constant -2.21318658E-7 : f32
    %mul3A_173 = vector.broadcast %mul3A_172 : f32 to vector<2560x64xf32>
    %mul3A_174 = arith.mulf %mul3A_152, %mul3A_173 : vector<2560x64xf32>
    %add3A_175 = arith.constant 2.42399765E-5 : f32
    %add3A_176 = vector.broadcast %add3A_175 : f32 to vector<2560x64xf32>
    %add3A_177 = arith.addf %add3A_176, %mul3A_174 : vector<2560x64xf32>
    %mul3A_178 = arith.mulf %mul3A_152, %add3A_177 : vector<2560x64xf32>
    %add3A_179 = arith.constant -0.00138617796 : f32
    %add3A_180 = vector.broadcast %add3A_179 : f32 to vector<2560x64xf32>
    %add3A_181 = arith.addf %add3A_180, %mul3A_178 : vector<2560x64xf32>
    %mul3A_182 = arith.mulf %mul3A_152, %add3A_181 : vector<2560x64xf32>
    %add3A_183 = arith.constant 0.0416607484 : f32
    %add3A_184 = vector.broadcast %add3A_183 : f32 to vector<2560x64xf32>
    %add3A_185 = arith.addf %add3A_184, %mul3A_182 : vector<2560x64xf32>
    %mul3A_186 = arith.mulf %mul3A_152, %add3A_185 : vector<2560x64xf32>
    %add3A_187 = arith.constant -0.499995291 : f32
    %add3A_188 = vector.broadcast %add3A_187 : f32 to vector<2560x64xf32>
    %add3A_189 = arith.addf %add3A_188, %mul3A_186 : vector<2560x64xf32>
    %mul3A_190 = arith.mulf %mul3A_152, %add3A_189 : vector<2560x64xf32>
    %add3A_191 = arith.constant 0.999999403 : f32
    %add3A_192 = vector.broadcast %add3A_191 : f32 to vector<2560x64xf32>
    %add3A_193 = arith.addf %add3A_192, %mul3A_190 : vector<2560x64xf32>
    %add3A_194 = arith.addf %add3A_139, %add3A_193 : vector<2560x64xf32>
    %add3A_195 = arith.addf %mul3A_117, %mul3A_171 : vector<2560x64xf32>
    %concatenate3A_196 = tpu.concatenate %add3A_194, %add3A_195 in 1 : vector<2560x64xf32>, vector<2560x64xf32> -> vector<2560x128xf32>
    %swap3A = arith.constant 0 : index
    %swap3A_197 = arith.constant 0 : index
    %swap3A_198 = vector.load %arg8[%swap3A, %swap3A_197] : memref<2560x128xf32, #tpu.memory_space<vmem>>, vector<2560x128xf32>
    tpu.vector_store %arg8[%swap3A, %swap3A_197], %concatenate3A_196 {strides = array<i32>} : memref<2560x128xf32, #tpu.memory_space<vmem>>, vector<2560x128xf32>,
    return
  }
  func.func @transform_0(%arg0: i32) -> (i32, i32) {
    %c0_i32 = arith.constant 0 : i32
    %c0_i32_0 = arith.constant 0 : i32
    return %arg0, %c0_i32 : i32, i32
  }
  func.func @transform_1(%arg0: i32) -> (i32, i32) {
    %c0_i32 = arith.constant 0 : i32
    %c0_i32_0 = arith.constant 0 : i32
    return %arg0, %c0_i32 : i32, i32
  }
  func.func @transform_2(%arg0: i32) -> (i32, i32) {
    %c0_i32 = arith.constant 0 : i32
    %c0_i32_0 = arith.constant 0 : i32
    %c0_i32_1 = arith.constant 0 : i32
    return %c0_i32, %c0_i32_0 : i32, i32
  }
  func.func @transform_3(%arg0: i32) -> (i32, i32) {
    %c0_i32 = arith.constant 0 : i32
    %c0_i32_0 = arith.constant 0 : i32
    %c0_i32_1 = arith.constant 0 : i32
    return %c0_i32, %c0_i32_0 : i32, i32
  }
  func.func @transform_4(%arg0: i32) -> (i32, i32) {
    %c0_i32 = arith.constant 0 : i32
    %c0_i32_0 = arith.constant 0 : i32
    %c0_i32_1 = arith.constant 0 : i32
    return %c0_i32, %c0_i32_0 : i32, i32
  }
  func.func @transform_5(%arg0: i32) -> (i32, i32) {
    %c0_i32 = arith.constant 0 : i32
    %c0_i32_0 = arith.constant 0 : i32
    %c0_i32_1 = arith.constant 0 : i32
    return %c0_i32, %c0_i32_0 : i32, i32
  }
  func.func @transform_6(%arg0: i32) -> (i32, i32) {
    %c0_i32 = arith.constant 0 : i32
    %c0_i32_0 = arith.constant 0 : i32
    %c0_i32_1 = arith.constant 0 : i32
    return %c0_i32, %c0_i32_0 : i32, i32
  }
  func.func @transform_7(%arg0: i32) -> (i32, i32) {
    %c0_i32 = arith.constant 0 : i32
    %c0_i32_0 = arith.constant 0 : i32
    return %arg0, %c0_i32 : i32, i32
  }
}

</mosaic_0001>

<sc_bundles>
// kernel: kernel.5.cloned.1.call-start
scs
__scs_entry_jumppad:
0x0: {  	(pc) =	sbr.rel $0x88, $3  }
0x1: {  	(tag) =	ssettag $0x0;
	lr =	simm.s32 $0x1  }
0x2: {  	[smem:$0x3F9D] =	sst lr;
	_ =	strace $0xD0000000  }
0x3: {  	_ = 	snop  }
0x4: {  	_ = 	snop  }
0x5: {  	_ = 	snop  }
0x6: {  	_ = 	snop  }
0x7: {  	_ = 	snop  }
__scs_overlays_trampoline_lowered:
0x8: {  	[smem:$0x3FAC] =	sst s0  }
0x9: {  	[smem:$0x3FAD] =	sst s1  }
0xa: {  	[smem:$0x3FAE] =	sst s2  }
0xb: {  	[smem:$0x3FAF] =	sst s3  }
0xc: {  	[smem:$0x3FB0] =	sst s4  }
0xd: {  	[smem:$0x3FB1] =	sst s5  }
0xe: {  	[smem:$0x3FB2] =	sst s6  }
0xf: {  	[smem:$0x3FB3] =	sst s7  }
0x10: {  	[smem:$0x3FB4] =	sst s8  }
0x11: {  	[smem:$0x3FB5] =	sst s9;
	s0 =	simm.s32 @!p0 $0x0  }
0x12: {  	s1 =	sld [smem:$0x3F9B];
	s0 =	simm.s32 @p0 $0x1  }
0x13: {  	[smem:$0x3FB6] =	sst s0;
	s0 =	simm.s32 @!p1 $0x0  }
0x14: {  	s2 =	sld [smem:$0x3F9A];
	s0 =	simm.s32 @p1 $0x1  }
0x15: {  	[smem:$0x3FB7] =	sst s0;
	s0 =	simm.s32 @!p2 $0x0  }
0x16: {  	s3 =	sld [smem:$0x3FDB];
	s0 =	simm.s32 @p2 $0x1  }
0x17: {  	s4 =	simm.s32 $0x1BF5;
	[smem:$0x3FB9] =	sst s0  }
0x18: {  	s0 =	sld [smem:$0x3F9C];
	_ =	swait.ge [sflag:s4], $0x0  }
0x19: {  	s7 =	sld [smem:$0x3F9D]  }
0x1a: {  	s8 =	sadd.s32 $0xFFFFE003, lr  }
0x1b: {  	s9 =	sadd.s32 $0xFFFFFEF7, lr;
	s5 =	simm.s32 $0xFFFFFFFF;
	p2 =	slt.u32 s8, $0xFFFFF086  }
0x1c: {  	p1 =	slt.u32 s9, $0xF7A;
	s5 =	simm.s32 @!p2 $0x0  }
0x1d: {  	s5 =	simm.s32 @p1 $0x1;
	p0 =	seq.s32 s7, s2  }
0x1e: {  	s7 =	smul.u32 @!p0 $0xF7A, s2;
	p2 =	seq.s32 @!p0 s5, $0x0  }
0x1f: {  	s9 =	smul.u32 $0xF7A, s1;
	s8 =	simm.s32 @!p0 $0x1BF5;
	p2 =	por !p2, p0  }
0x20: {  	[sflag:s8] =	ssyncset.s32 @!p0 $0xFFFFF086;
	s6 =	sadd.s32 @!p0 s3, s7;
	s7 =	simm.s32 @!p0 $0x108  }
0x21: {  	s3 =	sadd.s32 s3, s9;
	s6 =	sadd.s32 @!p0 $0x88, s6;
	s7 =	simm.s32 @p2 $0x1082  }
0x22: {  	[simem:s7], [sflag:s8] =	dma.local @!p0 [hbm:s6], $0xF7A  }
0x23: {  	s9 =	sor.u32 $0xD0000000, s2;
	s6 =	simm.s32 $0x108;
	_ =	swait.ge @!p0 [sflag:s8], $0x0  }
0x24: {  	s3 =	sadd.s32 $0x88, s3;
	s6 =	simm.s32 @!p1 $0x1082;
	[sflag:s4] =	ssyncset.s32 $0xFFFFF086  }
0x25: {  	[simem:s6], [sflag:s4] =	dma.local [hbm:s3], $0xF7A  }
0x26: {  	[smem:$0x3F9D] =	sst s1;
	(tag) =	ssettag s2;
	_ =	strace s9  }
0x27: {  	s1 =	sld [smem:$0x3FAD]  }
0x28: {  	s2 =	sld [smem:$0x3FAE]  }
0x29: {  	s4 =	sld [smem:$0x3FB0]  }
0x2a: {  	p0 =	seq.s32 s5, $0x0;
	s5 =	sld [smem:$0x3FB1]  }
0x2b: {  	s6 =	sld [smem:$0x3FB2]  }
0x2c: {  	s7 =	sld [smem:$0x3FB3]  }
0x2d: {  	s3 =	simm.s32 $0x108;
	s8 =	sld [smem:$0x3FB4]  }
0x2e: {  	s3 =	simm.s32 @!p0 $0x1082;
	s9 =	sld [smem:$0x3FB5]  }
0x2f: {  	lr =	sadd.s32 s0, s3;
	s0 =	sld [smem:$0x3FAC]  }
0x30: {  	s3 =	sld [smem:$0x3FAF]  }
0x31: {  	[smem:$0x3FB8] =	sst s10  }
0x32: {  	s10 =	sld [smem:$0x3FB6];
	_ =	sdelay $0x3  }
0x33: {  	p0 =	seq.s32 s10, $0x1;
	s10 =	sld [smem:$0x3FB8];
	_ =	sdelay $0x3  }
0x34: {  	[smem:$0x3FB8] =	sst s10  }
0x35: {  	s10 =	sld [smem:$0x3FB7];
	_ =	sdelay $0x3  }
0x36: {  	p1 =	seq.s32 s10, $0x1;
	s10 =	sld [smem:$0x3FB8];
	_ =	sdelay $0x3  }
0x37: {  	[smem:$0x3FB8] =	sst s10  }
0x38: {  	s10 =	sld [smem:$0x3FB9]  }
0x39: {  	_ = 	snop;
	(pc) =	sbr.ind lr, $3  }
0x3a: {  	_ = 	snop  }
0x3b: {  	_ = 	snop  }
0x3c: {  	p2 =	seq.s32 s10, $0x1;
	s10 =	sld [smem:$0x3FB8]  }
0x3d: {  	_ =	shalt  }
0x3e: {  	_ =	shalt  }
0x3f: {  	_ =	shalt  }
0x40: {  	_ =	shalt  }
0x41: {  	_ =	shalt  }
0x42: {  	_ =	shalt  }
0x43: {  	_ =	shalt  }
0x44: {  	_ =	shalt  }
0x45: {  	_ =	shalt  }
0x46: {  	_ =	shalt  }
0x47: {  	_ =	shalt  }
0x48: {  	_ =	shalt  }
0x49: {  	_ =	shalt  }
0x4a: {  	_ =	shalt  }
0x4b: {  	_ =	shalt  }
0x4c: {  	_ =	shalt  }
0x4d: {  	_ =	shalt  }
0x4e: {  	_ =	shalt  }
0x4f: {  	_ =	shalt  }
0x50: {  	_ =	shalt  }
0x51: {  	_ =	shalt  }
0x52: {  	_ =	shalt  }
0x53: {  	_ =	shalt  }
0x54: {  	_ =	shalt  }
0x55: {  	_ =	shalt  }
0x56: {  	_ =	shalt  }
0x57: {  	_ =	shalt  }
0x58: {  	_ =	shalt  }
0x59: {  	_ =	shalt  }
0x5a: {  	_ =	shalt  }
0x5b: {  	_ =	shalt  }
0x5c: {  	_ =	shalt  }
0x5d: {  	_ =	shalt  }
0x5e: {  	_ =	shalt  }
0x5f: {  	_ =	shalt  }
0x60: {  	_ =	shalt  }
0x61: {  	_ =	shalt  }
0x62: {  	_ =	shalt  }
0x63: {  	_ =	shalt  }
0x64: {  	_ =	shalt  }
0x65: {  	_ =	shalt  }
0x66: {  	_ =	shalt  }
0x67: {  	_ =	shalt  }
0x68: {  	_ =	shalt  }
0x69: {  	_ =	shalt  }
0x6a: {  	_ =	shalt  }
0x6b: {  	_ =	shalt  }
0x6c: {  	_ =	shalt  }
0x6d: {  	_ =	shalt  }
0x6e: {  	_ =	shalt  }
0x6f: {  	_ =	shalt  }
0x70: {  	_ =	shalt  }
0x71: {  	_ =	shalt  }
0x72: {  	_ =	shalt  }
0x73: {  	_ =	shalt  }
0x74: {  	_ =	shalt  }
0x75: {  	_ =	shalt  }
0x76: {  	_ =	shalt  }
0x77: {  	_ =	shalt  }
0x78: {  	_ =	shalt  }
0x79: {  	_ =	shalt  }
0x7a: {  	_ =	shalt  }
0x7b: {  	_ =	shalt  }
0x7c: {  	_ =	shalt  }
0x7d: {  	_ =	shalt  }
0x7e: {  	_ =	shalt  }
0x7f: {  	_ =	shalt  }
0x80: {  	_ =	shalt  }
0x81: {  	_ =	shalt  }
0x82: {  	_ =	shalt  }
0x83: {  	_ =	shalt  }
0x84: {  	_ =	shalt  }
0x85: {  	_ =	shalt  }
0x86: {  	_ =	shalt  }
0x87: {  	_ =	shalt  }
.Lfunc_end0:
.L_simem_size_0:
called_computation_lowered:
.L_overlay_start_0:
0x88: {  	s2 =	sld [smem:$0x3FD9]  }
0x89: {  	s3 =	sld [smem:$0x3FFE];
	_ =	sdelay $0x1  }
0x8a: {  	s1 =	srdreg.scid  }
0x8b: {  	s0 =	sand.u32 $0x1, s1  }
0x8c: {  	s17 =	sshll.u32 s0, $0xA;
	s2 =	sadd.s32 s3, s2  }
0x8d: {  	s2 =	sadd.s32 s2, s17  }
0x8e: {  	[smem:$0x3FC4] =	sst s2  }
0x8f: {  	_ = 	snop  }
0x90: {  	s2 =	sld [smem:$0x3FD0];
	(tm) =	ssettm $0x1  }
0x91: {  	s18 =	sld [smem:$0x3FFB];
	_ =	sdelay $0x3  }
0x92: {  	_ =	strace s18  }
0x93: {  	s3 =	sld [smem:$0x3FFC];
	_ =	sdelay $0x3  }
0x94: {  	_ =	strace s3  }
0x95: {  	s3 =	sld [smem:$0x3FFD];
	_ =	sdelay $0x3  }
0x96: {  	_ =	strace s3  }
0x97: {  	_ =	strace $0x8FFFFFFF  }
0x98: {  	s19 =	sld [smem:$0x3FDB];
	_ =	sdelay $0x1  }
0x99: {  	s4 =	simm.s32 $_scs_section_size  }
0x9a: {  	s5 =	simm.s32 $_size__tile_overlayer_lowered;
	s6 =	simm.s32 $_tile_overlayer_lowered  }
0x9b: {  	s22 =	simm.s32 $0x1BFF;
	s21 =	sshll.u32 s6, $0x1;
	s3 =	sadd.s32 s4, s19  }
0x9c: {  	s7 =	simm.s32 $0x0;
	s20 =	sshll.u32 s5, $0x1;
	s5 =	sadd.s32 s21, s3  }
0x9d: {  	[timem:s7], [sflag:s22] =	dma.local [hbm:s5], s20  }
0x9e: {  	_ =	swait.ge [sflag:s22], s20  }
0x9f: {  	s4 =	ssub.s32 $0x0, s20;
	[sflag:s22] =	ssyncset.done $0x0  }
0xa0: {  	[sflag:s22] =	ssyncadd.s32 s4;
	_ =	sdelay $0x1  }
0xa1: {  	s23 =	simm.s32 $0x1B8B  }
0xa2: {  	_ =	swait.ge [sflag:s23], $0x1  }
0xa3: {  	[sflag:s23] =	ssyncset.done $0x0  }
0xa4: {  	s25 =	simm.s32 $0x1B8E;
	s24 =	sld [smem:$0x3FFE];
	[sflag:s23] =	ssyncadd.s32 $0xFFFFFFFF  }
0xa5: {  	s26 =	simm.s32 $execute0_lowered;
	[smem:$0x3FD2] =	sst s25  }
0xa6: {  	s5 =	sshll.u32 s26, $0x1;
	_ =	strace $0x80000046;
	[dreg:$0x1] =	wrdreg $0xFFFFFFFF  }
0xa7: {  	s28 =	simm.s32 $_size_execute0_lowered;
	s3 =	sadd.s32 s3, s5;
	[dreg:$0x0] =	wrdreg $0x0  }
0xa8: {  	s5 =	sshll.u32 s28, $0x1;
	[dreg:$0x2] =	wrdreg s3  }
0xa9: {  	[dreg:$0x3] =	wrdreg s5  }
0xaa: {  	[dreg:$0x4] =	wrdreg $0xC0  }
0xab: {  	_ =	task [dreg:s7], $0x5FFFF  }
0xac: {  	[dreg:$0x1] =	wrdreg $0xFFFFFFFF  }
0xad: {  	[dreg:$0x0] =	wrdreg $0x60  }
0xae: {  	[dreg:$0x2] =	wrdreg s24  }
0xaf: {  	[dreg:$0x3] =	wrdreg s2  }
0xb0: {  	[dreg:$0x4] =	wrdreg $0x9  }
0xb1: {  	_ =	task.clear_ibuf [dreg:s7], $0x5FFFF;
	_ =	strace $0x90000046  }
0xb2: {  	s29 =	simm.s32 $0x9;
	_ =	strace $0x80000048  }
0xb3: {  	_ =	swait.ge [sflag:s29], $0x1  }
0xb4: {  	[sflag:s29] =	ssyncadd.s32 $0xFFFFFFFF  }
0xb5: {  	_ =	strace $0x90000048  }
0xb6: {  	_ =	sfence  }
0xb7: {  	s30 =	sld [smem:$0x0];
	_ =	sdelay $0x2  }
0xb8: {  	s31 =	sshll.u32 s1, $0xD;
	s1 =	sshrl.u32 s1, $0x2  }
0xb9: {  	s3 =	sand.u32 $0x4000, s31;
	s1 =	sadd.s32 s1, s30  }
0xba: {  	s0 =	sor.u32 s3, s0;
	s1 =	sshll.u32 s1, $0x11  }
0xbb: {  	s0 =	sor.u32 s1, s0  }
0xbc: {  	s0 =	sadd.s32 $0x8F2B, s0  }
0xbd: {  	[sflag:s0] =	ssyncadd.remote.s32 $0x1  }
0xbe: {  	_ =	sfence.sel $0xFFFF  }
0xbf: {  	[dreg:$0x0] =	wrdreg $0xFFFFFFFF;
	(pc) =	sbr.abs _section_cstart, $3  }
0xc0: {  	[dreg:$0x1] =	wrdreg $0xFFFFFFFF  }
0xc1: {  	_ =	task.clear_ibuf [dreg:s7], $0x2FFFF;
	_ =	strace $0x9FFFFFFF  }
0xc2: {  	(tm) =	ssettm $0x7FFFFFFF  }
0xc3: {  	_ =	shalt  }
tec
execute0_lowered:
.L_overlay_start_1:
0x0: {  	(tag) =	ssettag $0x1  }
0x1: {  	s1 =	srdreg.scid;
	s0 =	stileid.u32  }
0x2: {  	s17 =	sand.u32 $0x1, s1;
	s30 =	sshll.u32 s0, $0x1  }
0x3: {  	s5 =	rddreg [dreg:$0x0];
	s8 =	sor.u32 s17, s30  }
0x4: {  	s16 =	rddreg [dreg:$0x1];
	s18 =	smul.u32 $0x2710, s8  }
0x5: {  	s2 =	simm.s32 $0x0;
	s1 =	rddreg [dreg:$0x2]  }
0x6: {  	[smem:$0x7FF] =	sst s2;
	s15 =	sadd.s32 $0x6200, s5;
	s3 =	sshrl.u32 s18, $0x3  }
0x7: {  	_ =	strace $0x80000047;
	s4 =	sadd.s32 s15, s3;
	s3 =	simm.s32 $0x2  }
0x8: {  	[tilespmem:s2], [sflag:$0x2] =	stream.linear.gather [hbm4b:s4+s2], $0x7D0, $0x38;
	[tilespmem:$0x84D0] =	vst v63  }
0x9: {  	_ =	swait.ge [sflag:s3], $0x7D0  }
0xa: {  	s6 =	simm.s32 $0x7D0;
	[sflag:s3] =	ssyncset.done $0x0  }
0xb: {  	s7 =	simm.s32 $0x1;
	s5 =	sadd.s32 $0x1200, s5;
	[sflag:s3] =	ssyncadd.s32 $0xFFFFF830  }
0xc: {  	[tilespmem:s6], [sflag:$0x1] =	stream.indirect.gather [hbm4b:s5+s6], $0x10, s2, s6, $0xb8;
	[tilespmem:$0x84D0] =	vst v63  }
0xd: {  	s8 =	smul.u32 $0x4E20, s8;
	_ =	swait.ge [sflag:s7], $0x7D00  }
0xe: {  	[sflag:s7] =	ssyncset.done $0x0  }
0xf: {  	s8 =	sadd.s32 s16, s8;
	[sflag:s7] =	ssyncadd.s32 $0xFFFF8300  }
0x10: {  	[hbm4b:s8+s2] =	stream.linear.scatter [tilespmem:s6], [sflag:$0x2], $0x7D00, $0x38;
	[tilespmem:$0x84D0] =	vst v63  }
0x11: {  	s10 =	sadd.s32 $0x7D0, s18;
	_ =	swait.ge [sflag:s3], $0x7D00  }
0x12: {  	s9 =	sshrl.u32 s10, $0x3;
	[sflag:s3] =	ssyncset.done $0x0  }
0x13: {  	s9 =	sadd.s32 s15, s9;
	[sflag:s3] =	ssyncadd.s32 $0xFFFF8300  }
0x14: {  	[tilespmem:s2], [sflag:$0x2] =	stream.linear.gather [hbm4b:s9+s2], $0x7D0, $0x38;
	[tilespmem:$0x84D0] =	vst v63  }
0x15: {  	_ =	swait.ge [sflag:s3], $0x7D0  }
0x16: {  	[sflag:s3] =	ssyncset.done $0x0  }
0x17: {  	[sflag:s3] =	ssyncadd.s32 $0xFFFFF830  }
0x18: {  	[tilespmem:s6], [sflag:$0x1] =	stream.indirect.gather [hbm4b:s5+s6], $0x10, s2, s6, $0xb8;
	[tilespmem:$0x84D0] =	vst v63  }
0x19: {  	_ =	swait.ge [sflag:s7], $0x7D00  }
0x1a: {  	s10 =	sshll.u32 s10, $0x1;
	[sflag:s7] =	ssyncset.done $0x0  }
0x1b: {  	s10 =	sadd.s32 s16, s10;
	[sflag:s7] =	ssyncadd.s32 $0xFFFF8300  }
0x1c: {  	[hbm4b:s10+s2] =	stream.linear.scatter [tilespmem:s6], [sflag:$0x2], $0x7D00, $0x38;
	[tilespmem:$0x84D0] =	vst v63  }
0x1d: {  	s12 =	sadd.s32 $0xFA0, s18;
	_ =	swait.ge [sflag:s3], $0x7D00  }
0x1e: {  	s11 =	sshrl.u32 s12, $0x3;
	[sflag:s3] =	ssyncset.done $0x0  }
0x1f: {  	s11 =	sadd.s32 s15, s11;
	[sflag:s3] =	ssyncadd.s32 $0xFFFF8300  }
0x20: {  	[tilespmem:s2], [sflag:$0x2] =	stream.linear.gather [hbm4b:s11+s2], $0x7D0, $0x38;
	[tilespmem:$0x84D0] =	vst v63  }
0x21: {  	_ =	swait.ge [sflag:s3], $0x7D0  }
0x22: {  	[sflag:s3] =	ssyncset.done $0x0  }
0x23: {  	[sflag:s3] =	ssyncadd.s32 $0xFFFFF830  }
0x24: {  	[tilespmem:s6], [sflag:$0x1] =	stream.indirect.gather [hbm4b:s5+s6], $0x10, s2, s6, $0xb8;
	[tilespmem:$0x84D0] =	vst v63  }
0x25: {  	_ =	swait.ge [sflag:s7], $0x7D00  }
0x26: {  	s12 =	sshll.u32 s12, $0x1;
	[sflag:s7] =	ssyncset.done $0x0  }
0x27: {  	s12 =	sadd.s32 s16, s12;
	[sflag:s7] =	ssyncadd.s32 $0xFFFF8300  }
0x28: {  	[hbm4b:s12+s2] =	stream.linear.scatter [tilespmem:s6], [sflag:$0x2], $0x7D00, $0x38;
	[tilespmem:$0x84D0] =	vst v63  }
0x29: {  	s14 =	sadd.s32 $0x1770, s18;
	_ =	swait.ge [sflag:s3], $0x7D00  }
0x2a: {  	s13 =	sshrl.u32 s14, $0x3;
	[sflag:s3] =	ssyncset.done $0x0  }
0x2b: {  	s13 =	sadd.s32 s15, s13;
	[sflag:s3] =	ssyncadd.s32 $0xFFFF8300  }
0x2c: {  	[tilespmem:s2], [sflag:$0x2] =	stream.linear.gather [hbm4b:s13+s2], $0x7D0, $0x38;
	[tilespmem:$0x84D0] =	vst v63  }
0x2d: {  	_ =	swait.ge [sflag:s3], $0x7D0  }
0x2e: {  	[sflag:s3] =	ssyncset.done $0x0  }
0x2f: {  	[sflag:s3] =	ssyncadd.s32 $0xFFFFF830  }
0x30: {  	[tilespmem:s6], [sflag:$0x1] =	stream.indirect.gather [hbm4b:s5+s6], $0x10, s2, s6, $0xb8;
	[tilespmem:$0x84D0] =	vst v63  }
0x31: {  	_ =	swait.ge [sflag:s7], $0x7D00  }
0x32: {  	s14 =	sshll.u32 s14, $0x1;
	[sflag:s7] =	ssyncset.done $0x0  }
0x33: {  	s14 =	sadd.s32 s16, s14;
	[sflag:s7] =	ssyncadd.s32 $0xFFFF8300  }
0x34: {  	[hbm4b:s14+s2] =	stream.linear.scatter [tilespmem:s6], [sflag:$0x2], $0x7D00, $0x38;
	[tilespmem:$0x84D0] =	vst v63  }
0x35: {  	s18 =	sadd.s32 $0x1F40, s18;
	_ =	swait.ge [sflag:s3], $0x7D00  }
0x36: {  	s19 =	sshrl.u32 s18, $0x3;
	[sflag:s3] =	ssyncset.done $0x0  }
0x37: {  	s17 =	ssub.s32 $0x2, s17;
	s15 =	sadd.s32 s15, s19;
	[sflag:s3] =	ssyncadd.s32 $0xFFFF8300  }
0x38: {  	[tilespmem:s2], [sflag:$0x2] =	stream.linear.gather [hbm4b:s15+s2], $0x7D0, $0x38;
	[tilespmem:$0x84D0] =	vst v63  }
0x39: {  	s31 =	sshrl.u32 s17, $0x1;
	_ =	swait.ge [sflag:s3], $0x7D0  }
0x3a: {  	s17 =	ssub.s32 s17, s31;
	[sflag:s3] =	ssyncset.done $0x0  }
0x3b: {  	s17 =	smax.u32 s17, $0x1;
	[sflag:s3] =	ssyncadd.s32 $0xFFFFF830  }
0x3c: {  	[tilespmem:s6], [sflag:$0x1] =	stream.indirect.gather [hbm4b:s5+s6], $0x10, s2, s6, $0xb8;
	[tilespmem:$0x84D0] =	vst v63  }
0x3d: {  	p0 =	sne.s32 s17, $0x1;
	_ =	swait.ge [sflag:s7], $0x7D00  }
.Ltmp0:
0x3e: {  	s18 =	sshll.u32 s18, $0x1;
	[sflag:s7] =	ssyncset.done $0x0;
	(pc) =	sbr.rel @!p0 .LBB2_2-.Ltmp0, $4  }
0x3f: {  	s16 =	sadd.s32 s16, s18;
	[sflag:s7] =	ssyncadd.s32 $0xFFFF8300  }
0x40: {  	[hbm4b:s16+s2] =	stream.linear.scatter [tilespmem:s6], [sflag:$0x2], $0x7D00, $0x38;
	[tilespmem:$0x84D0] =	vst v63  }
0x41: {  	_ =	swait.ge [sflag:s3], $0x7D00  }
0x42: {  	s17 =	sadd.s32 $0xFFFFFFFF, s17;
	[sflag:s3] =	ssyncset.done $0x0  }
.LBB2_1:
0x43: {  	p0 =	sne.s32 s17, $0x1;
	s17 =	sadd.s32 $0xFFFFFFFF, s17;
	[sflag:s3] =	ssyncadd.s32 $0xFFFF8300  }
0x44: {  	[tilespmem:s2], [sflag:$0x2] =	stream.linear.gather [hbm4b:s4+s2], $0x7D0, $0x38;
	[tilespmem:$0x84D0] =	vst v63  }
0x45: {  	_ =	swait.ge [sflag:s3], $0x7D0  }
0x46: {  	[sflag:s3] =	ssyncset.done $0x0  }
0x47: {  	[sflag:s3] =	ssyncadd.s32 $0xFFFFF830  }
0x48: {  	[tilespmem:s6], [sflag:$0x1] =	stream.indirect.gather [hbm4b:s5+s6], $0x10, s2, s6, $0xb8;
	[tilespmem:$0x84D0] =	vst v63  }
0x49: {  	_ =	swait.ge [sflag:s7], $0x7D00  }
0x4a: {  	[sflag:s7] =	ssyncset.done $0x0  }
0x4b: {  	[sflag:s7] =	ssyncadd.s32 $0xFFFF8300  }
0x4c: {  	[hbm4b:s8+s2] =	stream.linear.scatter [tilespmem:s6], [sflag:$0x2], $0x7D00, $0x38;
	[tilespmem:$0x84D0] =	vst v63  }
0x4d: {  	_ =	swait.ge [sflag:s3], $0x7D00  }
0x4e: {  	[sflag:s3] =	ssyncset.done $0x0  }
0x4f: {  	[sflag:s3] =	ssyncadd.s32 $0xFFFF8300  }
0x50: {  	[tilespmem:s2], [sflag:$0x2] =	stream.linear.gather [hbm4b:s9+s2], $0x7D0, $0x38;
	[tilespmem:$0x84D0] =	vst v63  }
0x51: {  	_ =	swait.ge [sflag:s3], $0x7D0  }
0x52: {  	[sflag:s3] =	ssyncset.done $0x0  }
0x53: {  	[sflag:s3] =	ssyncadd.s32 $0xFFFFF830  }
0x54: {  	[tilespmem:s6], [sflag:$0x1] =	stream.indirect.gather [hbm4b:s5+s6], $0x10, s2, s6, $0xb8;
	[tilespmem:$0x84D0] =	vst v63  }
0x55: {  	_ =	swait.ge [sflag:s7], $0x7D00  }
0x56: {  	[sflag:s7] =	ssyncset.done $0x0  }
0x57: {  	[sflag:s7] =	ssyncadd.s32 $0xFFFF8300  }
0x58: {  	[hbm4b:s10+s2] =	stream.linear.scatter [tilespmem:s6], [sflag:$0x2], $0x7D00, $0x38;
	[tilespmem:$0x84D0] =	vst v63  }
0x59: {  	_ =	swait.ge [sflag:s3], $0x7D00  }
0x5a: {  	[sflag:s3] =	ssyncset.done $0x0  }
0x5b: {  	[sflag:s3] =	ssyncadd.s32 $0xFFFF8300  }
0x5c: {  	[tilespmem:s2], [sflag:$0x2] =	stream.linear.gather [hbm4b:s11+s2], $0x7D0, $0x38;
	[tilespmem:$0x84D0] =	vst v63  }
0x5d: {  	_ =	swait.ge [sflag:s3], $0x7D0  }
0x5e: {  	[sflag:s3] =	ssyncset.done $0x0  }
0x5f: {  	[sflag:s3] =	ssyncadd.s32 $0xFFFFF830  }
0x60: {  	[tilespmem:s6], [sflag:$0x1] =	stream.indirect.gather [hbm4b:s5+s6], $0x10, s2, s6, $0xb8;
	[tilespmem:$0x84D0] =	vst v63  }
0x61: {  	_ =	swait.ge [sflag:s7], $0x7D00  }
0x62: {  	[sflag:s7] =	ssyncset.done $0x0  }
0x63: {  	[sflag:s7] =	ssyncadd.s32 $0xFFFF8300  }
0x64: {  	[hbm4b:s12+s2] =	stream.linear.scatter [tilespmem:s6], [sflag:$0x2], $0x7D00, $0x38;
	[tilespmem:$0x84D0] =	vst v63  }
0x65: {  	_ =	swait.ge [sflag:s3], $0x7D00  }
0x66: {  	[sflag:s3] =	ssyncset.done $0x0  }
0x67: {  	[sflag:s3] =	ssyncadd.s32 $0xFFFF8300  }
0x68: {  	[tilespmem:s2], [sflag:$0x2] =	stream.linear.gather [hbm4b:s13+s2], $0x7D0, $0x38;
	[tilespmem:$0x84D0] =	vst v63  }
0x69: {  	_ =	swait.ge [sflag:s3], $0x7D0  }
0x6a: {  	[sflag:s3] =	ssyncset.done $0x0  }
0x6b: {  	[sflag:s3] =	ssyncadd.s32 $0xFFFFF830  }
0x6c: {  	[tilespmem:s6], [sflag:$0x1] =	stream.indirect.gather [hbm4b:s5+s6], $0x10, s2, s6, $0xb8;
	[tilespmem:$0x84D0] =	vst v63  }
0x6d: {  	_ =	swait.ge [sflag:s7], $0x7D00  }
0x6e: {  	[sflag:s7] =	ssyncset.done $0x0  }
0x6f: {  	[sflag:s7] =	ssyncadd.s32 $0xFFFF8300  }
0x70: {  	[hbm4b:s14+s2] =	stream.linear.scatter [tilespmem:s6], [sflag:$0x2], $0x7D00, $0x38;
	[tilespmem:$0x84D0] =	vst v63  }
0x71: {  	_ =	swait.ge [sflag:s3], $0x7D00  }
0x72: {  	[sflag:s3] =	ssyncset.done $0x0  }
0x73: {  	[sflag:s3] =	ssyncadd.s32 $0xFFFF8300  }
0x74: {  	[tilespmem:s2], [sflag:$0x2] =	stream.linear.gather [hbm4b:s15+s2], $0x7D0, $0x38;
	[tilespmem:$0x84D0] =	vst v63  }
0x75: {  	_ =	swait.ge [sflag:s3], $0x7D0  }
0x76: {  	[sflag:s3] =	ssyncset.done $0x0  }
0x77: {  	[sflag:s3] =	ssyncadd.s32 $0xFFFFF830  }
0x78: {  	[tilespmem:s6], [sflag:$0x1] =	stream.indirect.gather [hbm4b:s5+s6], $0x10, s2, s6, $0xb8;
	[tilespmem:$0x84D0] =	vst v63  }
0x79: {  	_ =	swait.ge [sflag:s7], $0x7D00  }
.Ltmp1:
0x7a: {  	[sflag:s7] =	ssyncset.done $0x0;
	(pc) =	sbr.rel @p0 .LBB2_1-.Ltmp1, $4  }
0x7b: {  	[sflag:s7] =	ssyncadd.s32 $0xFFFF8300  }
0x7c: {  	[hbm4b:s16+s2] =	stream.linear.scatter [tilespmem:s6], [sflag:$0x2], $0x7D00, $0x38;
	[tilespmem:$0x84D0] =	vst v63  }
0x7d: {  	_ =	swait.ge [sflag:s3], $0x7D00  }
0x7e: {  	[sflag:s3] =	ssyncset.done $0x0  }
.LBB2_2:
0x7f: {  	[sflag:s3] =	ssyncadd.s32 $0xFFFF8300  }
0x80: {  	_ =	sfence.sel $0x180000  }
0x81: {  	[bflag:$0x0] =	sbarrier.arrive $0xFFFF  }
0x82: {  	p0 =	sne.s32 s0, $0x0;
	_ =	strace $0x90000047  }
0x83: {  	s0 =	sadd.s32 @!p0 $0x100000, s1;
	[bflag:$0x2] =	sbarrier.arrive $0xFFFF  }
0x84: {  	[sflag:s0] =	ssyncadd.tile.s32 @!p0 $0x1;
	_ =	shalt  }
.Lfunc_end2:
_tile_overlayer_lowered:
.L_overlay_start_2:
0x85: {  	(tag) =	ssettag $0x2  }
0x86: {  	s0 =	rddreg [dreg:$0x0];
	s2 =	stileid.u32  }
0x87: {  	s1 =	rddreg [dreg:$0x1];
	p0 =	sne.s32 s2, $0x0  }
0x88: {  	s3 =	rddreg [dreg:$0x2];
	[bflag:$0x3] =	sbarrier.arrive $0xFFFF;
	s2 =	simm.s32 @!p0 $0x1C02  }
0x89: {  	[timem:s3], [sflag:s2] =	dma.local @!p0 [hbm:s0], s1  }
0x8a: {  	s0 =	simm.s32 @!p0 $0x2  }
0x8b: {  	_ =	swait.ge @!p0 [sflag:s0], s1  }
0x8c: {  	s1 =	ssub.s32 @!p0 $0x0, s1;
	[sflag:s0] =	ssyncset.done @!p0 $0x0  }
0x8d: {  	[sflag:s0] =	ssyncadd.s32 @!p0 s1  }
0x8e: {  	[bflag:$0x3] =	sbarrier.arrive $0xFFFF  }
0x8f: {  	_ =	shalt  }

</sc_bundles>
